<compile_context>
chip_gen: v7x
topology: tpu7x:2x2x1
jax: 0.10.2.dev20260603
libtpu: 0.0.44.dev20260713+nightly
codegen_flags: <defaults>
</compile_context>

<pallas_src>
import functools

import jax
import jax.numpy as jnp
from jax import lax
from jax.experimental import pallas as pl
from jax.experimental.pallas import tpu as pltpu
from jax.experimental.pallas import tpu_sc as plsc

B, S, D, A, K, C = 4, 2048, 128, 8, 512, 10
T = 256
NB = S // T


def _main_body(word_ref, cnn_ref, lab_ref, wg1_ref, wg2_ref, bg_ref,
               wr0_ref, wr1_ref, br0_ref, br1_ref, wc_ref, bc_ref,
               anchor_ref, l0_ref, l1_ref, detect_ref, cls_ref, loss_ref,
               prev_ref, acc_ref):
    b = pl.program_id(0)
    k = pl.program_id(1)

    @pl.when((b == 0) & (k == 0))
    def _():
        acc_ref[0] = 0.0
        acc_ref[1] = 0.0

    word = word_ref[0]
    cnn = cnn_ref[0]
    x = jnp.dot(word, wg1_ref[...]) + jnp.dot(cnn, wg2_ref[...]) + bg_ref[0]
    g = jax.nn.sigmoid(x)
    rep = g * word + (1.0 - g) * cnn
    l0 = jnp.dot(rep, wr0_ref[...]) + br0_ref[0]
    l1 = jnp.dot(rep, wr1_ref[...]) + br1_ref[0]
    l0_ref[0] = l0
    l1_ref[0] = l1
    detect_ref[0] = (l1 > l0).astype(jnp.int32)

    lab = lab_ref[0]
    mx = jnp.maximum(l0, l1)
    lse = mx + jnp.log(jnp.exp(l0 - mx) + jnp.exp(l1 - mx))
    nll = lse - jnp.where(lab == 1, l1, l0)
    w = jnp.where(lab == 1, 1.0, 0.2)

    @pl.when(k < NB)
    def _():
        acc_ref[0] += jnp.sum(nll * w)
        acc_ref[1] += jnp.sum(w)

    @pl.when(k > 0)
    def _():
        prev = prev_ref[...]
        tail = rep[0:A, :] * (k < NB).astype(jnp.float32)
        base = (k - 1) * T + lax.broadcasted_iota(jnp.int32, (T, 1), 0)
        ssum = prev
        cols = []
        for a in range(A):
            if a > 0:
                ssum = ssum + jnp.concatenate([prev[a:T], tail[0:a]], axis=0)
            ln = jnp.minimum(a + 1, S - base).astype(jnp.float32)
            anc = ssum / ln
            anchor_ref[0, :, a, :] = anc
            logits = jnp.dot(anc, wc_ref[...]) + bc_ref[0]
            bestv = logits[:, 0:1]
            besti = jnp.zeros((T, 1), jnp.int32)
            for c in range(1, C):
                v = logits[:, c:c + 1]
                upd = v > bestv
                bestv = jnp.where(upd, v, bestv)
                besti = jnp.where(upd, c, besti)
            cols.append(besti)
        cls_ref[0] = jnp.concatenate(cols, axis=1)

    prev_ref[...] = rep

    @pl.when((b == B - 1) & (k == NB))
    def _():
        loss_ref[...] = jnp.reshape(acc_ref[0] / (acc_ref[1] + 1e-6), (1, 1))


_MAIN_KW = dict(
    grid=(B, NB + 1),
    in_specs=[
        pl.BlockSpec((1, T, D), lambda b, k: (b, jnp.minimum(k, NB - 1), 0)),
        pl.BlockSpec((1, T, D), lambda b, k: (b, jnp.minimum(k, NB - 1), 0)),
        pl.BlockSpec((1, T, A), lambda b, k: (b, jnp.minimum(k, NB - 1), 0)),
        pl.BlockSpec((D, D), lambda b, k: (0, 0)),
        pl.BlockSpec((D, D), lambda b, k: (0, 0)),
        pl.BlockSpec((1, D), lambda b, k: (0, 0)),
        pl.BlockSpec((D, A), lambda b, k: (0, 0)),
        pl.BlockSpec((D, A), lambda b, k: (0, 0)),
        pl.BlockSpec((1, A), lambda b, k: (0, 0)),
        pl.BlockSpec((1, A), lambda b, k: (0, 0)),
        pl.BlockSpec((D, C), lambda b, k: (0, 0)),
        pl.BlockSpec((1, C), lambda b, k: (0, 0)),
    ],
    out_specs=[
        pl.BlockSpec((1, T, A, D), lambda b, k: (b, jnp.maximum(k - 1, 0), 0, 0)),
        pl.BlockSpec((1, T, A), lambda b, k: (b, jnp.minimum(k, NB - 1), 0)),
        pl.BlockSpec((1, T, A), lambda b, k: (b, jnp.minimum(k, NB - 1), 0)),
        pl.BlockSpec((1, T, A), lambda b, k: (b, jnp.minimum(k, NB - 1), 0)),
        pl.BlockSpec((1, T, A), lambda b, k: (b, jnp.maximum(k - 1, 0), 0)),
        pl.BlockSpec((1, 1), lambda b, k: (0, 0)),
    ],
    out_shape=[
        jax.ShapeDtypeStruct((B, S, A, D), jnp.float32),
        jax.ShapeDtypeStruct((B, S, A), jnp.float32),
        jax.ShapeDtypeStruct((B, S, A), jnp.float32),
        jax.ShapeDtypeStruct((B, S, A), jnp.int32),
        jax.ShapeDtypeStruct((B, S, A), jnp.int32),
        jax.ShapeDtypeStruct((1, 1), jnp.float32),
    ],
    scratch_shapes=[
        pltpu.VMEM((T, D), jnp.float32),
        pltpu.SMEM((2,), jnp.float32),
    ],
)


def _sc_gather(table, gidx):
    info = plsc.get_sparse_core_info()
    nw = info.num_cores * info.num_subcores
    per_w = (B * K) // nw
    mesh = plsc.VectorSubcoreMesh(core_axis_name="c", subcore_axis_name="s")

    @functools.partial(
        pl.kernel, mesh=mesh,
        out_type=jax.ShapeDtypeStruct((B * K, D), jnp.float32),
        scratch_types=[
            pltpu.VMEM((per_w,), jnp.int32),
            pltpu.VMEM((per_w, D), jnp.float32),
            pltpu.SemaphoreType.DMA,
        ],
    )
    def gather_k(table_hbm, idx_hbm, out_hbm, idx_v, rows_v, sem):
        wid = lax.axis_index("s") * info.num_cores + lax.axis_index("c")
        base = wid * per_w
        pltpu.sync_copy(idx_hbm.at[pl.ds(base, per_w)], idx_v)
        pltpu.async_copy(table_hbm.at[idx_v], rows_v, sem).wait()
        pltpu.sync_copy(rows_v, out_hbm.at[pl.ds(base, per_w)])

    return gather_k(table, gidx)


def _loss2_body(cr_ref, wc_ref, bc_ref, tgt_ref, elw_ref, clab_ref,
                logits_ref, loss_ref, num_ref):
    cr = cr_ref[...]
    logits = jnp.dot(cr, wc_ref[...]) + bc_ref[0]
    logits_ref[...] = logits
    tgt = tgt_ref[...]
    ci = lax.broadcasted_iota(jnp.int32, (B * K, C), 1)
    oh = ci == tgt
    chosen = jnp.sum(jnp.where(oh, logits, 0.0), axis=1, keepdims=True)
    mx = jnp.max(logits, axis=1, keepdims=True)
    lse = mx + jnp.log(jnp.sum(jnp.exp(logits - mx), axis=1, keepdims=True))
    w2 = jnp.sum(jnp.where(oh, elw_ref[0][None, :], 0.0), axis=1, keepdims=True)
    nll2 = lse - chosen
    loss_ref[...] = jnp.reshape(jnp.sum(nll2 * w2) / (jnp.sum(w2) + 1e-6), (1, 1))
    num_ref[...] = jnp.sum((clab_ref[...] >= 0).astype(jnp.int32), axis=1,
                           keepdims=True)


_LOSS2_KW = dict(
    out_shape=[
        jax.ShapeDtypeStruct((B * K, C), jnp.float32),
        jax.ShapeDtypeStruct((1, 1), jnp.float32),
        jax.ShapeDtypeStruct((B, 1), jnp.int32),
    ],
)


def kernel(seq_mask, word_representation, cnn_representation,
           entity_anchor_loc, entity_anchor_labels, entity_anchor_type,
           Wg1, Wg2, bg, Wr, br, Wc, bc, entity_label_weight):
    labels = entity_anchor_labels.astype(jnp.int32)
    atype = entity_anchor_type.astype(jnp.int32)
    anchor, l0, l1, detect_label, cls_label, loss = pl.pallas_call(
        _main_body, **_MAIN_KW)(
            word_representation, cnn_representation, labels,
            Wg1, Wg2, bg.reshape(1, D),
            Wr[:, 0::2], Wr[:, 1::2],
            br[0::2].reshape(1, A), br[1::2].reshape(1, A),
            Wc, bc.reshape(1, C))

    rpn_logits = jnp.stack([l0, l1], axis=-1)
    pos_prob = jax.nn.softmax(rpn_logits, axis=-1)[..., 1].reshape(B, S * A)
    mask_flat = jnp.repeat(seq_mask, A, axis=1)
    _, topi = jax.lax.top_k(pos_prob * mask_flat, K)

    candidate_label = jnp.take_along_axis(labels.reshape(B, S * A), topi, axis=1)
    cls_target = jnp.take_along_axis(atype.reshape(B, S * A), topi, axis=1)
    cand_loc = jnp.take_along_axis(
        entity_anchor_loc.reshape(B, S * A, 2), topi[..., None], axis=1)
    starts = jnp.arange(S)
    ends = jnp.clip(starts[:, None] + jnp.arange(1, A + 1)[None, :], None, S)
    span_len = (ends - starts[:, None]).astype(jnp.float32)
    len_flat = jnp.tile(span_len.reshape(1, S * A), (B, 1))
    cand_len = jnp.take_along_axis(len_flat, topi, axis=1)

    gidx = (topi + (jnp.arange(B) * (S * A))[:, None]).reshape(B * K)
    cand_flat = _sc_gather(anchor.reshape(B * S * A, D), gidx.astype(jnp.int32))

    cand_logits_flat, loss2, cand_num = pl.pallas_call(
        _loss2_body, **_LOSS2_KW)(
            cand_flat, Wc, bc.reshape(1, C),
            cls_target.reshape(B * K, 1), entity_label_weight.reshape(1, C),
            candidate_label)

    cand_mask = jnp.ones((B, K), jnp.float32)
    return (loss.reshape(1), detect_label, loss2.reshape(1), cls_label,
            anchor, cand_flat.reshape(B, K, D), candidate_label,
            cand_logits_flat.reshape(B, K, C), cand_num.reshape(B),
            cand_len, cand_mask, cand_loc)

# --- scband reference (transcript-rebuilt; emitter-appended) ---
"""Pipeline reference for scband-entity-mention-detection-layer-85383949844586 (READ-ONLY COPY).

The authoritative reference and input builder live on the scoring server;
editing this copy changes nothing except your own understanding.
"""

import jax, jax.numpy as jnp
import numpy as np

B, S, D, A, K, C = 4, 2048, 128, 8, 512, 10

def setup_inputs(seed: int = 0) -> dict:
    key = jax.random.key(seed)
    ks = jax.random.split(key, 12)
    inp = {}
    inp['seq_mask'] = jnp.ones((B, S), dtype=jnp.float32)
    inp['word_representation'] = jax.random.normal(ks[0], (B, S, D), dtype=jnp.float32)
    inp['cnn_representation'] = jax.random.normal(ks[1], (B, S, D), dtype=jnp.float32)
    inp['entity_anchor_loc'] = jax.random.uniform(ks[2], (B, S, A, 2), dtype=jnp.float32)
    inp['entity_anchor_labels'] = jax.random.randint(ks[3], (B, S, A), 0, 2)
    inp['entity_anchor_type'] = jax.random.randint(ks[4], (B, S, A), 0, C)
    inp['Wg1'] = jax.random.normal(ks[5], (D, D), dtype=jnp.float32) * 0.05
    inp['Wg2'] = jax.random.normal(ks[6], (D, D), dtype=jnp.float32) * 0.05
    inp['bg'] = jnp.zeros((D,), dtype=jnp.float32)
    inp['Wr'] = jax.random.normal(ks[7], (D, A * 2), dtype=jnp.float32) * 0.05
    inp['br'] = jnp.zeros((A * 2,), dtype=jnp.float32)
    inp['Wc'] = jax.random.normal(ks[8], (D, C), dtype=jnp.float32) * 0.05
    inp['bc'] = jnp.zeros((C,), dtype=jnp.float32)
    inp['entity_label_weight'] = jnp.ones((C,), dtype=jnp.float32)
    return inp

def reference(seq_mask, word_representation, cnn_representation, entity_anchor_loc, entity_anchor_labels, entity_anchor_type, Wg1, Wg2, bg, Wr, br, Wc, bc, entity_label_weight):
    Bx, Sx = seq_mask.shape
    # gated fusion of bert + cnn representations (GateLayer branch)
    g = jax.nn.sigmoid(word_representation @ Wg1 + cnn_representation @ Wg2 + bg)
    rep = g * word_representation + (1.0 - g) * cnn_representation
    # anchor (span) representations via prefix sums: mean over span [i, i+a)
    cs = jnp.concatenate([jnp.zeros((Bx, 1, D), rep.dtype), jnp.cumsum(rep, axis=1)], axis=1)
    starts = jnp.arange(Sx)
    ends = jnp.clip(starts[:, None] + jnp.arange(1, A + 1)[None, :], None, Sx)
    span_len = (ends - starts[:, None]).astype(rep.dtype)
    anchor_repr = (cs[:, ends, :] - cs[:, starts, :][:, :, None, :]) / span_len[None, :, :, None]
    # RPN detection head: per-anchor binary logits
    rpn_logits = (rep @ Wr + br).reshape(Bx, Sx, A, 2)
    detect_label = jnp.where(seq_mask[:, :, None] > 0, jnp.argmax(rpn_logits, axis=-1), 0)
    logp = jax.nn.log_softmax(rpn_logits, axis=-1)
    nll = -jnp.take_along_axis(logp, entity_anchor_labels[..., None], axis=-1)[..., 0]
    det_weight = jnp.array([1.0 / 5.0, 1.0], dtype=rep.dtype)
    w = det_weight[entity_anchor_labels]
    m = seq_mask[:, :, None]
    loss_emd = (jnp.sum(nll * w * m) / (jnp.sum(w * m) + 1e-6)).reshape(1)
    # candidate selection (NMS-like top-k over anchor scores)
    pos_prob = jax.nn.softmax(rpn_logits, axis=-1)[..., 1].reshape(Bx, Sx * A)
    mask_flat = jnp.repeat(seq_mask, A, axis=1)
    topv, topi = jax.lax.top_k(pos_prob * mask_flat, K)
    candidate_label = jnp.take_along_axis(entity_anchor_labels.reshape(Bx, Sx * A), topi, axis=1)
    # RoI classification over selected candidates
    flat_repr = anchor_repr.reshape(Bx, Sx * A, D)
    cand_repr = jnp.take_along_axis(flat_repr, topi[..., None], axis=1)
    cand_logits = cand_repr @ Wc + bc
    cls_target = jnp.take_along_axis(entity_anchor_type.reshape(Bx, Sx * A), topi, axis=1)
    logp2 = jax.nn.log_softmax(cand_logits, axis=-1)
    nll2 = -jnp.take_along_axis(logp2, cls_target[..., None], axis=-1)[..., 0]
    w2 = entity_label_weight[cls_target]
    loss_emd_cls = (jnp.sum(nll2 * w2) / (jnp.sum(w2) + 1e-6)).reshape(1)
    full_cls_logits = anchor_repr @ Wc + bc
    cls_label = jnp.argmax(full_cls_logits, axis=-1)
    cand_loc = jnp.take_along_axis(entity_anchor_loc.reshape(Bx, Sx * A, 2), topi[..., None], axis=1)
    len_flat = jnp.tile(span_len.reshape(1, Sx * A), (Bx, 1))
    cand_len = jnp.take_along_axis(len_flat, topi, axis=1)
    cand_num = jnp.sum(candidate_label >= 0, axis=1)
    cand_mask = jnp.ones((Bx, K), dtype=rep.dtype)
    return (loss_emd, detect_label, loss_emd_cls, cls_label, anchor_repr, cand_repr, candidate_label, cand_logits, cand_num, cand_len, cand_mask, cand_loc)

if __name__ == "__main__":
    import jax
    _d = setup_inputs()
    print(jax.jit(kernel)(*tuple(_d.values())))

</pallas_src>

<mosaic_0001>
#map = affine_map<(d0, d1) -> (0, 0)>
#map1 = affine_map<(d0, d1) -> (0)>
module attributes {stable_mosaic.version = 14 : i64} {
  func.func @gather_k(%arg0: i32, %arg1: i32, %arg2: memref<65536x128xf32, #tpu.memory_space<hbm>>, %arg3: memref<2048xi32, #tpu.memory_space<hbm>>, %arg4: memref<2048x128xf32, #tpu.memory_space<hbm>>, %arg5: memref<64xi32, #tpu.memory_space<vmem>>, %arg6: memref<64x128xf32, #tpu.memory_space<vmem>>, %arg7: memref<!tpu.dma_semaphore, #tpu.memory_space<semaphore_mem>>) attributes {dimension_semantics = [#tpu.dimension_semantics<core_parallel>, #tpu.dimension_semantics<subcore_parallel>], iteration_bounds = array<i64: 2, 16>, scalar_prefetch = 0 : i64, scratch_operands = 3 : i64, tpu.core_type = #tpu.core_type<sc_vector_subcore>, window_params = [{transform_indices = #map}, {transform_indices = #map1}, {transform_indices = #map}]} {
    %mul3A = arith.constant 2 : i32
    %mul3A_0 = arith.muli %arg1, %mul3A : i32
    %add3A = arith.addi %mul3A_0, %arg0 : i32
    %mul3A_1 = arith.constant 64 : i32
    %mul3A_2 = arith.muli %add3A, %mul3A_1 : i32
    "tpu.region"() ({
      %run_scoped3A = tpu.sem_alloc : memref<!tpu.dma_semaphore, #tpu.memory_space<semaphore_mem>>
      %dma_start3A_7 = tpu.memref_slice %arg3[%mul3A_2] : memref<2048xi32, #tpu.memory_space<hbm>> -> memref<64xi32, #tpu.memory_space<hbm>>
      %dma_start3A_8 = tpu.memref_slice %arg3[%mul3A_2] : memref<2048xi32, #tpu.memory_space<hbm>> -> memref<64xi32, #tpu.memory_space<hbm>>
      tpu.enqueue_dma source(%dma_start3A_8 : memref<64xi32, #tpu.memory_space<hbm>>) target(%arg5 : memref<64xi32, #tpu.memory_space<vmem>>) target_semaphore(%run_scoped3A : memref<!tpu.dma_semaphore, #tpu.memory_space<semaphore_mem>>)
      %dma_wait3A_9 = tpu.memref_slice %arg3[%mul3A_2] : memref<2048xi32, #tpu.memory_space<hbm>> -> memref<64xi32, #tpu.memory_space<hbm>>
      %dma_wait3A_10 = tpu.memref_slice %arg3[%mul3A_2] : memref<2048xi32, #tpu.memory_space<hbm>> -> memref<64xi32, #tpu.memory_space<hbm>>
      tpu.wait_dma2 semaphore(%run_scoped3A : memref<!tpu.dma_semaphore, #tpu.memory_space<semaphore_mem>>) src(%dma_wait3A_10 : memref<64xi32, #tpu.memory_space<hbm>>) dst(%arg5 : memref<64xi32, #tpu.memory_space<vmem>>)
      tpu.yield
    }) : () -> ()
    %dma_start3A = arith.constant 0 : i32
    %dma_start3A_3 = arith.constant 0 : i32
    %dma_start3A_4 = tpu.memref_slice %arg2[%dma_start3A, %dma_start3A_3] : memref<65536x128xf32, #tpu.memory_space<hbm>> -> memref<65536x128xf32, #tpu.memory_space<hbm>>
    tpu.enqueue_indirect_dma source(%dma_start3A_4 : memref<65536x128xf32, #tpu.memory_space<hbm>>) target(%arg6 : memref<64x128xf32, #tpu.memory_space<vmem>>) offsets(%arg5 : memref<64xi32, #tpu.memory_space<vmem>>) semaphore(%arg7 : memref<!tpu.dma_semaphore, #tpu.memory_space<semaphore_mem>>)
    %dma_wait3A = arith.constant 0 : i32
    %dma_wait3A_5 = arith.constant 0 : i32
    %dma_wait3A_6 = tpu.memref_slice %arg2[%dma_wait3A, %dma_wait3A_5] : memref<65536x128xf32, #tpu.memory_space<hbm>> -> memref<65536x128xf32, #tpu.memory_space<hbm>>
    tpu.wait_indirect_dma semaphore(%arg7 : memref<!tpu.dma_semaphore, #tpu.memory_space<semaphore_mem>>) src(%dma_wait3A_6 : memref<65536x128xf32, #tpu.memory_space<hbm>>) dst(%arg6 : memref<64x128xf32, #tpu.memory_space<vmem>>)
    "tpu.region"() ({
      %run_scoped3A = tpu.sem_alloc : memref<!tpu.dma_semaphore, #tpu.memory_space<semaphore_mem>>
      %dma_start3A_7 = arith.constant 0 : i32
      %dma_start3A_8 = tpu.memref_slice %arg4[%mul3A_2, %dma_start3A_7] : memref<2048x128xf32, #tpu.memory_space<hbm>> -> memref<64x128xf32, #tpu.memory_space<hbm>>
      %dma_start3A_9 = arith.constant 0 : i32
      %dma_start3A_10 = tpu.memref_slice %arg4[%mul3A_2, %dma_start3A_9] : memref<2048x128xf32, #tpu.memory_space<hbm>> -> memref<64x128xf32, #tpu.memory_space<hbm>>
      tpu.enqueue_dma source(%arg6 : memref<64x128xf32, #tpu.memory_space<vmem>>) target(%dma_start3A_10 : memref<64x128xf32, #tpu.memory_space<hbm>>) target_semaphore(%run_scoped3A : memref<!tpu.dma_semaphore, #tpu.memory_space<semaphore_mem>>)
      %dma_wait3A_11 = arith.constant 0 : i32
      %dma_wait3A_12 = tpu.memref_slice %arg4[%mul3A_2, %dma_wait3A_11] : memref<2048x128xf32, #tpu.memory_space<hbm>> -> memref<64x128xf32, #tpu.memory_space<hbm>>
      %dma_wait3A_13 = arith.constant 0 : i32
      %dma_wait3A_14 = tpu.memref_slice %arg4[%mul3A_2, %dma_wait3A_13] : memref<2048x128xf32, #tpu.memory_space<hbm>> -> memref<64x128xf32, #tpu.memory_space<hbm>>
      tpu.wait_dma2 semaphore(%run_scoped3A : memref<!tpu.dma_semaphore, #tpu.memory_space<semaphore_mem>>) src(%arg6 : memref<64x128xf32, #tpu.memory_space<vmem>>) dst(%dma_wait3A_14 : memref<64x128xf32, #tpu.memory_space<hbm>>)
      tpu.yield
    }) : () -> ()
    return
  }
}

module attributes {stable_mosaic.version = 14 : i64} {
  func.func @_main_body(%arg0: i32, %arg1: i32, %arg2: memref<1x256x128xf32, #tpu.memory_space<vmem>>, %arg3: memref<1x256x128xf32, #tpu.memory_space<vmem>>, %arg4: memref<1x256x8xi32, #tpu.memory_space<vmem>>, %arg5: memref<128x128xf32, #tpu.memory_space<vmem>>, %arg6: memref<128x128xf32, #tpu.memory_space<vmem>>, %arg7: memref<1x128xf32, #tpu.memory_space<vmem>>, %arg8: memref<128x8xf32, #tpu.memory_space<vmem>>, %arg9: memref<128x8xf32, #tpu.memory_space<vmem>>, %arg10: memref<1x8xf32, #tpu.memory_space<vmem>>, %arg11: memref<1x8xf32, #tpu.memory_space<vmem>>, %arg12: memref<128x10xf32, #tpu.memory_space<vmem>>, %arg13: memref<1x10xf32, #tpu.memory_space<vmem>>, %arg14: memref<1x256x8x128xf32, #tpu.memory_space<vmem>>, %arg15: memref<1x256x8xf32, #tpu.memory_space<vmem>>, %arg16: memref<1x256x8xf32, #tpu.memory_space<vmem>>, %arg17: memref<1x256x8xi32, #tpu.memory_space<vmem>>, %arg18: memref<1x256x8xi32, #tpu.memory_space<vmem>>, %arg19: memref<1x1xf32, #tpu.memory_space<vmem>>, %arg20: memref<256x128xf32, #tpu.memory_space<vmem>>, %arg21: memref<2xf32, #tpu.memory_space<smem>>) attributes {dimension_semantics = [#tpu.dimension_semantics<arbitrary>, #tpu.dimension_semantics<arbitrary>], iteration_bounds = array<i64: 4, 9>, scalar_prefetch = 0 : i64, scratch_operands = 2 : i64, tpu.core_type = #tpu.core_type<tc>, window_params = [{transform_indices = @transform_0, window_bounds = array<i64: 1, 256, 128>}, {transform_indices = @transform_1, window_bounds = array<i64: 1, 256, 128>}, {transform_indices = @transform_2, window_bounds = array<i64: 1, 256, 8>}, {pipeline_mode = #tpu.pipeline_mode<synchronous>, transform_indices = @transform_3, window_bounds = array<i64: 128, 128>}, {pipeline_mode = #tpu.pipeline_mode<synchronous>, transform_indices = @transform_4, window_bounds = array<i64: 128, 128>}, {pipeline_mode = #tpu.pipeline_mode<synchronous>, transform_indices = @transform_5, window_bounds = array<i64: 1, 128>}, {pipeline_mode = #tpu.pipeline_mode<synchronous>, transform_indices = @transform_6, window_bounds = array<i64: 128, 8>}, {pipeline_mode = #tpu.pipeline_mode<synchronous>, transform_indices = @transform_7, window_bounds = array<i64: 128, 8>}, {pipeline_mode = #tpu.pipeline_mode<synchronous>, transform_indices = @transform_8, window_bounds = array<i64: 1, 8>}, {pipeline_mode = #tpu.pipeline_mode<synchronous>, transform_indices = @transform_9, window_bounds = array<i64: 1, 8>}, {pipeline_mode = #tpu.pipeline_mode<synchronous>, transform_indices = @transform_10, window_bounds = array<i64: 128, 10>}, {pipeline_mode = #tpu.pipeline_mode<synchronous>, transform_indices = @transform_11, window_bounds = array<i64: 1, 10>}, {transform_indices = @transform_12, window_bounds = array<i64: 1, 256, 8, 128>}, {transform_indices = @transform_13, window_bounds = array<i64: 1, 256, 8>}, {transform_indices = @transform_14, window_bounds = array<i64: 1, 256, 8>}, {transform_indices = @transform_15, window_bounds = array<i64: 1, 256, 8>}, {transform_indices = @transform_16, window_bounds = array<i64: 1, 256, 8>}, {pipeline_mode = #tpu.pipeline_mode<synchronous>, transform_indices = @transform_17, window_bounds = array<i64: 1, 1>}]} {
    %eq3A = arith.constant 0 : i32
    %eq3A_0 = arith.cmpi eq, %arg0, %eq3A : i32
    %eq3A_1 = arith.constant 0 : i32
    %eq3A_2 = arith.cmpi eq, %arg1, %eq3A_1 : i32
    %and3A = arith.andi %eq3A_0, %eq3A_2 : i1
    %convert_element_type3A = arith.extui %and3A : i1 to i32
    %cond3A = arith.constant 0 : i32
    %cond3A_3 = arith.cmpi ne, %convert_element_type3A, %cond3A : i32
    scf.if %cond3A_3 {
      %swap3A_120 = arith.constant 0.000000e+00 : f32
      %swap3A_121 = arith.constant 0 : index
      %swap3A_122 = memref.load %arg21[%swap3A_121] : memref<2xf32, #tpu.memory_space<smem>>
      memref.store %swap3A_120, %arg21[%swap3A_121] : memref<2xf32, #tpu.memory_space<smem>>
      %swap3A_123 = arith.constant 0.000000e+00 : f32
      %swap3A_124 = arith.constant 1 : index
      %swap3A_125 = memref.load %arg21[%swap3A_124] : memref<2xf32, #tpu.memory_space<smem>>
      memref.store %swap3A_123, %arg21[%swap3A_124] : memref<2xf32, #tpu.memory_space<smem>>
    } else {
    }
    %get3A = arith.constant 0 : index
    %get3A_4 = arith.constant 0 : index
    %get3A_5 = arith.constant 0 : index
    %get3A_6 = vector.load %arg2[%get3A, %get3A_4, %get3A_5] : memref<1x256x128xf32, #tpu.memory_space<vmem>>, vector<1x256x128xf32>
    %get3A_7 = vector.shape_cast %get3A_6 : vector<1x256x128xf32> to vector<256x128xf32>
    %get3A_8 = arith.constant 0 : index
    %get3A_9 = arith.constant 0 : index
    %get3A_10 = arith.constant 0 : index
    %get3A_11 = vector.load %arg3[%get3A_8, %get3A_9, %get3A_10] : memref<1x256x128xf32, #tpu.memory_space<vmem>>, vector<1x256x128xf32>
    %get3A_12 = vector.shape_cast %get3A_11 : vector<1x256x128xf32> to vector<256x128xf32>
    %get3A_13 = arith.constant 0 : index
    %get3A_14 = arith.constant 0 : index
    %get3A_15 = vector.load %arg5[%get3A_13, %get3A_14] : memref<128x128xf32, #tpu.memory_space<vmem>>, vector<128x128xf32>
    %dot_general3A = arith.constant dense<0.000000e+00> : vector<256x128xf32>
    %dot_general3A_16 = tpu.matmul %get3A_7, %get3A_15, %dot_general3A {dimension_numbers = #tpu.dot_dimension_numbers<[1], [0], [0], [1], [0, 0, 1, 1], [], []>, transpose_lhs_hint = false} : vector<256x128xf32>, vector<128x128xf32>, vector<256x128xf32> -> vector<256x128xf32>
    %get3A_17 = arith.constant 0 : index
    %get3A_18 = arith.constant 0 : index
    %get3A_19 = vector.load %arg6[%get3A_17, %get3A_18] : memref<128x128xf32, #tpu.memory_space<vmem>>, vector<128x128xf32>
    %dot_general3A_20 = arith.constant dense<0.000000e+00> : vector<256x128xf32>
    %dot_general3A_21 = tpu.matmul %get3A_12, %get3A_19, %dot_general3A_20 {dimension_numbers = #tpu.dot_dimension_numbers<[1], [0], [0], [1], [0, 0, 1, 1], [], []>, transpose_lhs_hint = false} : vector<256x128xf32>, vector<128x128xf32>, vector<256x128xf32> -> vector<256x128xf32>
    %add3A = arith.addf %dot_general3A_16, %dot_general3A_21 : vector<256x128xf32>
    %get3A_22 = arith.constant 0 : index
    %get3A_23 = arith.constant 0 : index
    %get3A_24 = vector.load %arg7[%get3A_22, %get3A_23] : memref<1x128xf32, #tpu.memory_space<vmem>>, vector<1x128xf32>
    %get3A_25 = vector.shape_cast %get3A_24 : vector<1x128xf32> to vector<128xf32>
    %broadcast_in_dim3A = vector.shape_cast %get3A_25 : vector<128xf32> to vector<1x128xf32>
    %add3A_26 = vector.broadcast %broadcast_in_dim3A : vector<1x128xf32> to vector<256x128xf32>
    %add3A_27 = arith.addf %add3A, %add3A_26 : vector<256x128xf32>
    %logistic3A = arith.negf %add3A_27 : vector<256x128xf32>
    %logistic3A_28 = math.exp %logistic3A : vector<256x128xf32>
    %logistic3A_29 = arith.constant 1.000000e+00 : f32
    %logistic3A_30 = vector.broadcast %logistic3A_29 : f32 to vector<256x128xf32>
    %logistic3A_31 = arith.addf %logistic3A_30, %logistic3A_28 : vector<256x128xf32>
    %logistic3A_32 = arith.divf %logistic3A_30, %logistic3A_31 : vector<256x128xf32>
    %mul3A = arith.mulf %logistic3A_32, %get3A_7 : vector<256x128xf32>
    %sub3A = arith.constant 1.000000e+00 : f32
    %sub3A_33 = vector.broadcast %sub3A : f32 to vector<256x128xf32>
    %sub3A_34 = arith.subf %sub3A_33, %logistic3A_32 : vector<256x128xf32>
    %mul3A_35 = arith.mulf %sub3A_34, %get3A_12 : vector<256x128xf32>
    %add3A_36 = arith.addf %mul3A, %mul3A_35 : vector<256x128xf32>
    %get3A_37 = arith.constant 0 : index
    %get3A_38 = arith.constant 0 : index
    %get3A_39 = vector.load %arg8[%get3A_37, %get3A_38] : memref<128x8xf32, #tpu.memory_space<vmem>>, vector<128x8xf32>
    %dot_general3A_40 = arith.constant dense<0.000000e+00> : vector<256x8xf32>
    %dot_general3A_41 = tpu.matmul %add3A_36, %get3A_39, %dot_general3A_40 {dimension_numbers = #tpu.dot_dimension_numbers<[1], [0], [0], [1], [0, 0, 1, 1], [], []>, transpose_lhs_hint = false} : vector<256x128xf32>, vector<128x8xf32>, vector<256x8xf32> -> vector<256x8xf32>
    %get3A_42 = arith.constant 0 : index
    %get3A_43 = arith.constant 0 : index
    %get3A_44 = vector.load %arg10[%get3A_42, %get3A_43] : memref<1x8xf32, #tpu.memory_space<vmem>>, vector<1x8xf32>
    %get3A_45 = vector.shape_cast %get3A_44 : vector<1x8xf32> to vector<8xf32>
    %broadcast_in_dim3A_46 = vector.shape_cast %get3A_45 : vector<8xf32> to vector<1x8xf32>
    %add3A_47 = vector.broadcast %broadcast_in_dim3A_46 : vector<1x8xf32> to vector<256x8xf32>
    %add3A_48 = arith.addf %dot_general3A_41, %add3A_47 : vector<256x8xf32>
    %get3A_49 = arith.constant 0 : index
    %get3A_50 = arith.constant 0 : index
    %get3A_51 = vector.load %arg9[%get3A_49, %get3A_50] : memref<128x8xf32, #tpu.memory_space<vmem>>, vector<128x8xf32>
    %dot_general3A_52 = arith.constant dense<0.000000e+00> : vector<256x8xf32>
    %dot_general3A_53 = tpu.matmul %add3A_36, %get3A_51, %dot_general3A_52 {dimension_numbers = #tpu.dot_dimension_numbers<[1], [0], [0], [1], [0, 0, 1, 1], [], []>, transpose_lhs_hint = false} : vector<256x128xf32>, vector<128x8xf32>, vector<256x8xf32> -> vector<256x8xf32>
    %get3A_54 = arith.constant 0 : index
    %get3A_55 = arith.constant 0 : index
    %get3A_56 = vector.load %arg11[%get3A_54, %get3A_55] : memref<1x8xf32, #tpu.memory_space<vmem>>, vector<1x8xf32>
    %get3A_57 = vector.shape_cast %get3A_56 : vector<1x8xf32> to vector<8xf32>
    %broadcast_in_dim3A_58 = vector.shape_cast %get3A_57 : vector<8xf32> to vector<1x8xf32>
    %add3A_59 = vector.broadcast %broadcast_in_dim3A_58 : vector<1x8xf32> to vector<256x8xf32>
    %add3A_60 = arith.addf %dot_general3A_53, %add3A_59 : vector<256x8xf32>
    %swap3A = arith.constant 0 : index
    %swap3A_61 = arith.constant 0 : index
    %swap3A_62 = arith.constant 0 : index
    %swap3A_63 = vector.load %arg15[%swap3A, %swap3A_61, %swap3A_62] : memref<1x256x8xf32, #tpu.memory_space<vmem>>, vector<1x256x8xf32>
    %swap3A_64 = vector.shape_cast %swap3A_63 : vector<1x256x8xf32> to vector<256x8xf32>
    %swap3A_65 = vector.shape_cast %add3A_48 : vector<256x8xf32> to vector<1x256x8xf32>
    tpu.vector_store %arg15[%swap3A, %swap3A_61, %swap3A_62], %swap3A_65 {strides = array<i32>} : memref<1x256x8xf32, #tpu.memory_space<vmem>>, vector<1x256x8xf32>,
    %swap3A_66 = arith.constant 0 : index
    %swap3A_67 = arith.constant 0 : index
    %swap3A_68 = arith.constant 0 : index
    %swap3A_69 = vector.load %arg16[%swap3A_66, %swap3A_67, %swap3A_68] : memref<1x256x8xf32, #tpu.memory_space<vmem>>, vector<1x256x8xf32>
    %swap3A_70 = vector.shape_cast %swap3A_69 : vector<1x256x8xf32> to vector<256x8xf32>
    %swap3A_71 = vector.shape_cast %add3A_60 : vector<256x8xf32> to vector<1x256x8xf32>
    tpu.vector_store %arg16[%swap3A_66, %swap3A_67, %swap3A_68], %swap3A_71 {strides = array<i32>} : memref<1x256x8xf32, #tpu.memory_space<vmem>>, vector<1x256x8xf32>,
    %gt3A = arith.cmpf ogt, %add3A_60, %add3A_48 : vector<256x8xf32>
    %convert_element_type3A_72 = arith.extui %gt3A : vector<256x8xi1> to vector<256x8xi32>
    %swap3A_73 = arith.constant 0 : index
    %swap3A_74 = arith.constant 0 : index
    %swap3A_75 = arith.constant 0 : index
    %swap3A_76 = vector.load %arg17[%swap3A_73, %swap3A_74, %swap3A_75] : memref<1x256x8xi32, #tpu.memory_space<vmem>>, vector<1x256x8xi32>
    %swap3A_77 = vector.shape_cast %swap3A_76 : vector<1x256x8xi32> to vector<256x8xi32>
    %swap3A_78 = vector.shape_cast %convert_element_type3A_72 : vector<256x8xi32> to vector<1x256x8xi32>
    tpu.vector_store %arg17[%swap3A_73, %swap3A_74, %swap3A_75], %swap3A_78 {strides = array<i32>} : memref<1x256x8xi32, #tpu.memory_space<vmem>>, vector<1x256x8xi32>,
    %get3A_79 = arith.constant 0 : index
    %get3A_80 = arith.constant 0 : index
    %get3A_81 = arith.constant 0 : index
    %get3A_82 = vector.load %arg4[%get3A_79, %get3A_80, %get3A_81] : memref<1x256x8xi32, #tpu.memory_space<vmem>>, vector<1x256x8xi32>
    %get3A_83 = vector.shape_cast %get3A_82 : vector<1x256x8xi32> to vector<256x8xi32>
    %max3A = arith.maximumf %add3A_48, %add3A_60 : vector<256x8xf32>
    %sub3A_84 = arith.subf %add3A_48, %max3A : vector<256x8xf32>
    %exp3A = math.exp %sub3A_84 : vector<256x8xf32>
    %sub3A_85 = arith.subf %add3A_60, %max3A : vector<256x8xf32>
    %exp3A_86 = math.exp %sub3A_85 : vector<256x8xf32>
    %add3A_87 = arith.addf %exp3A, %exp3A_86 : vector<256x8xf32>
    %log3A = math.log %add3A_87 : vector<256x8xf32>
    %add3A_88 = arith.addf %max3A, %log3A : vector<256x8xf32>
    %eq3A_89 = arith.constant 1 : i32
    %eq3A_90 = vector.broadcast %eq3A_89 : i32 to vector<256x8xi32>
    %eq3A_91 = arith.cmpi eq, %get3A_83, %eq3A_90 : vector<256x8xi32>
    %select_n3A = arith.select %eq3A_91, %add3A_60, %add3A_48 : vector<256x8xi1>, vector<256x8xf32>
    %sub3A_92 = arith.subf %add3A_88, %select_n3A : vector<256x8xf32>
    %eq3A_93 = arith.constant 1 : i32
    %eq3A_94 = vector.broadcast %eq3A_93 : i32 to vector<256x8xi32>
    %eq3A_95 = arith.cmpi eq, %get3A_83, %eq3A_94 : vector<256x8xi32>
    %jit3A = arith.constant 1.000000e+00 : f32
    %jit3A_96 = arith.constant 2.000000e-01 : f32
    %broadcast_in_dim3A_97 = vector.broadcast %jit3A : f32 to vector<256x8xf32>
    %broadcast_in_dim3A_98 = vector.broadcast %jit3A_96 : f32 to vector<256x8xf32>
    %select_n3A_99 = arith.select %eq3A_95, %broadcast_in_dim3A_97, %broadcast_in_dim3A_98 : vector<256x8xi1>, vector<256x8xf32>
    %lt3A = arith.constant 8 : i32
    %lt3A_100 = arith.cmpi slt, %arg1, %lt3A : i32
    %convert_element_type3A_101 = arith.extui %lt3A_100 : i1 to i32
    %cond3A_102 = arith.constant 0 : i32
    %cond3A_103 = arith.cmpi ne, %convert_element_type3A_101, %cond3A_102 : i32
    scf.if %cond3A_103 {
      %get3A_120 = arith.constant 0 : index
      %get3A_121 = memref.load %arg21[%get3A_120] : memref<2xf32, #tpu.memory_space<smem>>
      %mul3A_122 = arith.mulf %sub3A_92, %select_n3A_99 : vector<256x8xf32>
      %reduce_sum3A = vector.shape_cast %mul3A_122 : vector<256x8xf32> to vector<1x256x8xf32>
      %reduce_sum3A_123 = arith.constant dense<0.000000e+00> : vector<1xf32>
      %reduce_sum3A_124 = vector.multi_reduction <add>, %reduce_sum3A, %reduce_sum3A_123 [1, 2] : vector<1x256x8xf32> to vector<1xf32>
      %reduce_sum3A_125 = vector.shape_cast %reduce_sum3A_124 : vector<1xf32> to vector<1x1x1xf32>
      %reduce_sum3A_126 = vector.extract %reduce_sum3A_125[0, 0, 0] : f32 from vector<1x1x1xf32>
      %add3A_127 = arith.addf %get3A_121, %reduce_sum3A_126 : f32
      %swap3A_128 = arith.constant 0 : index
      %swap3A_129 = memref.load %arg21[%swap3A_128] : memref<2xf32, #tpu.memory_space<smem>>
      memref.store %add3A_127, %arg21[%swap3A_128] : memref<2xf32, #tpu.memory_space<smem>>
      %get3A_130 = arith.constant 1 : index
      %get3A_131 = memref.load %arg21[%get3A_130] : memref<2xf32, #tpu.memory_space<smem>>
      %reduce_sum3A_132 = vector.shape_cast %select_n3A_99 : vector<256x8xf32> to vector<1x256x8xf32>
      %reduce_sum3A_133 = arith.constant dense<0.000000e+00> : vector<1xf32>
      %reduce_sum3A_134 = vector.multi_reduction <add>, %reduce_sum3A_132, %reduce_sum3A_133 [1, 2] : vector<1x256x8xf32> to vector<1xf32>
      %reduce_sum3A_135 = vector.shape_cast %reduce_sum3A_134 : vector<1xf32> to vector<1x1x1xf32>
      %reduce_sum3A_136 = vector.extract %reduce_sum3A_135[0, 0, 0] : f32 from vector<1x1x1xf32>
      %add3A_137 = arith.addf %get3A_131, %reduce_sum3A_136 : f32
      %swap3A_138 = arith.constant 1 : index
      %swap3A_139 = memref.load %arg21[%swap3A_138] : memref<2xf32, #tpu.memory_space<smem>>
      memref.store %add3A_137, %arg21[%swap3A_138] : memref<2xf32, #tpu.memory_space<smem>>
    } else {
    }
    %gt3A_104 = arith.constant 0 : i32
    %gt3A_105 = arith.cmpi sgt, %arg1, %gt3A_104 : i32
    %convert_element_type3A_106 = arith.extui %gt3A_105 : i1 to i32
    %cond3A_107 = arith.constant 0 : i32
    %cond3A_108 = arith.cmpi ne, %convert_element_type3A_106, %cond3A_107 : i32
    scf.if %cond3A_108 {
      %get3A_120 = arith.constant 0 : index
      %get3A_121 = arith.constant 0 : index
      %get3A_122 = vector.load %arg20[%get3A_120, %get3A_121] : memref<256x128xf32, #tpu.memory_space<vmem>>, vector<256x128xf32>
      %slice3A = vector.extract_strided_slice %add3A_36 {offsets = [0, 0], sizes = [8, 128], strides = [1, 1]} : vector<256x128xf32> to vector<8x128xf32>
      %lt3A_123 = arith.constant 8 : i32
      %lt3A_124 = arith.cmpi slt, %arg1, %lt3A_123 : i32
      %convert_element_type3A_125 = arith.extui %lt3A_124 : i1 to i32
      %convert_element_type3A_126 = arith.sitofp %convert_element_type3A_125 : i32 to f32
      %mul3A_127 = vector.broadcast %convert_element_type3A_126 : f32 to vector<8x128xf32>
      %mul3A_128 = arith.mulf %slice3A, %mul3A_127 : vector<8x128xf32>
      %sub3A_129 = arith.constant 1 : i32
      %sub3A_130 = arith.subi %arg1, %sub3A_129 : i32
      %mul3A_131 = arith.constant 256 : i32
      %mul3A_132 = arith.muli %sub3A_130, %mul3A_131 : i32
      %iota3A = tpu.iota {dimensions = array<i32: 0>} : vector<256x1xi32>
      %add3A_133 = vector.broadcast %mul3A_132 : i32 to vector<256x1xi32>
      %add3A_134 = arith.addi %add3A_133, %iota3A : vector<256x1xi32>
      %sub3A_135 = arith.constant 2048 : i32
      %sub3A_136 = vector.broadcast %sub3A_135 : i32 to vector<256x1xi32>
      %sub3A_137 = arith.subi %sub3A_136, %add3A_134 : vector<256x1xi32>
      %min3A = arith.constant 1 : i32
      %min3A_138 = vector.broadcast %min3A : i32 to vector<256x1xi32>
      %min3A_139 = arith.minsi %min3A_138, %sub3A_137 : vector<256x1xi32>
      %convert_element_type3A_140 = arith.sitofp %min3A_139 : vector<256x1xi32> to vector<256x1xf32>
      %div3A = vector.broadcast %convert_element_type3A_140 : vector<256x1xf32> to vector<256x128xf32>
      %div3A_141 = arith.divf %get3A_122, %div3A : vector<256x128xf32>
      %swap3A_142 = arith.constant 0 : index
      %swap3A_143 = arith.constant 0 : index
      %swap3A_144 = arith.constant 0 : index
      %swap3A_145 = arith.constant 0 : index
      %swap3A_146 = vector.load %arg14[%swap3A_142, %swap3A_143, %swap3A_144, %swap3A_145] : memref<1x256x8x128xf32, #tpu.memory_space<vmem>>, vector<1x256x1x128xf32>
      %swap3A_147 = vector.shape_cast %swap3A_146 : vector<1x256x1x128xf32> to vector<256x128xf32>
      %swap3A_148 = vector.shape_cast %div3A_141 : vector<256x128xf32> to vector<1x256x1x128xf32>
      tpu.vector_store %arg14[%swap3A_142, %swap3A_143, %swap3A_144, %swap3A_145], %swap3A_148 {strides = array<i32>} : memref<1x256x8x128xf32, #tpu.memory_space<vmem>>, vector<1x256x1x128xf32>,
      %get3A_149 = arith.constant 0 : index
      %get3A_150 = arith.constant 0 : index
      %get3A_151 = vector.load %arg12[%get3A_149, %get3A_150] : memref<128x10xf32, #tpu.memory_space<vmem>>, vector<128x10xf32>
      %dot_general3A_152 = arith.constant dense<0.000000e+00> : vector<256x10xf32>
      %dot_general3A_153 = tpu.matmul %div3A_141, %get3A_151, %dot_general3A_152 {dimension_numbers = #tpu.dot_dimension_numbers<[1], [0], [0], [1], [0, 0, 1, 1], [], []>, transpose_lhs_hint = false} : vector<256x128xf32>, vector<128x10xf32>, vector<256x10xf32> -> vector<256x10xf32>
      %get3A_154 = arith.constant 0 : index
      %get3A_155 = arith.constant 0 : index
      %get3A_156 = vector.load %arg13[%get3A_154, %get3A_155] : memref<1x10xf32, #tpu.memory_space<vmem>>, vector<1x10xf32>
      %get3A_157 = vector.shape_cast %get3A_156 : vector<1x10xf32> to vector<10xf32>
      %broadcast_in_dim3A_158 = vector.shape_cast %get3A_157 : vector<10xf32> to vector<1x10xf32>
      %add3A_159 = vector.broadcast %broadcast_in_dim3A_158 : vector<1x10xf32> to vector<256x10xf32>
      %add3A_160 = arith.addf %dot_general3A_153, %add3A_159 : vector<256x10xf32>
      %slice3A_161 = vector.extract_strided_slice %add3A_160 {offsets = [0, 0], sizes = [256, 1], strides = [1, 1]} : vector<256x10xf32> to vector<256x1xf32>
      %broadcast_in_dim3A_162 = arith.constant 0 : i32
      %broadcast_in_dim3A_163 = vector.broadcast %broadcast_in_dim3A_162 : i32 to vector<256x1xi32>
      %slice3A_164 = vector.extract_strided_slice %add3A_160 {offsets = [0, 1], sizes = [256, 1], strides = [1, 1]} : vector<256x10xf32> to vector<256x1xf32>
      %gt3A_165 = arith.cmpf ogt, %slice3A_164, %slice3A_161 : vector<256x1xf32>
      %select_n3A_166 = arith.select %gt3A_165, %slice3A_164, %slice3A_161 : vector<256x1xi1>, vector<256x1xf32>
      %jit3A_167 = arith.constant 1 : i32
      %broadcast_in_dim3A_168 = vector.broadcast %jit3A_167 : i32 to vector<256x1xi32>
      %select_n3A_169 = arith.select %gt3A_165, %broadcast_in_dim3A_168, %broadcast_in_dim3A_163 : vector<256x1xi1>, vector<256x1xi32>
      %slice3A_170 = vector.extract_strided_slice %add3A_160 {offsets = [0, 2], sizes = [256, 1], strides = [1, 1]} : vector<256x10xf32> to vector<256x1xf32>
      %gt3A_171 = arith.cmpf ogt, %slice3A_170, %select_n3A_166 : vector<256x1xf32>
      %select_n3A_172 = arith.select %gt3A_171, %slice3A_170, %select_n3A_166 : vector<256x1xi1>, vector<256x1xf32>
      %jit3A_173 = arith.constant 2 : i32
      %broadcast_in_dim3A_174 = vector.broadcast %jit3A_173 : i32 to vector<256x1xi32>
      %select_n3A_175 = arith.select %gt3A_171, %broadcast_in_dim3A_174, %select_n3A_169 : vector<256x1xi1>, vector<256x1xi32>
      %slice3A_176 = vector.extract_strided_slice %add3A_160 {offsets = [0, 3], sizes = [256, 1], strides = [1, 1]} : vector<256x10xf32> to vector<256x1xf32>
      %gt3A_177 = arith.cmpf ogt, %slice3A_176, %select_n3A_172 : vector<256x1xf32>
      %select_n3A_178 = arith.select %gt3A_177, %slice3A_176, %select_n3A_172 : vector<256x1xi1>, vector<256x1xf32>
      %jit3A_179 = arith.constant 3 : i32
      %broadcast_in_dim3A_180 = vector.broadcast %jit3A_179 : i32 to vector<256x1xi32>
      %select_n3A_181 = arith.select %gt3A_177, %broadcast_in_dim3A_180, %select_n3A_175 : vector<256x1xi1>, vector<256x1xi32>
      %slice3A_182 = vector.extract_strided_slice %add3A_160 {offsets = [0, 4], sizes = [256, 1], strides = [1, 1]} : vector<256x10xf32> to vector<256x1xf32>
      %gt3A_183 = arith.cmpf ogt, %slice3A_182, %select_n3A_178 : vector<256x1xf32>
      %select_n3A_184 = arith.select %gt3A_183, %slice3A_182, %select_n3A_178 : vector<256x1xi1>, vector<256x1xf32>
      %jit3A_185 = arith.constant 4 : i32
      %broadcast_in_dim3A_186 = vector.broadcast %jit3A_185 : i32 to vector<256x1xi32>
      %select_n3A_187 = arith.select %gt3A_183, %broadcast_in_dim3A_186, %select_n3A_181 : vector<256x1xi1>, vector<256x1xi32>
      %slice3A_188 = vector.extract_strided_slice %add3A_160 {offsets = [0, 5], sizes = [256, 1], strides = [1, 1]} : vector<256x10xf32> to vector<256x1xf32>
      %gt3A_189 = arith.cmpf ogt, %slice3A_188, %select_n3A_184 : vector<256x1xf32>
      %select_n3A_190 = arith.select %gt3A_189, %slice3A_188, %select_n3A_184 : vector<256x1xi1>, vector<256x1xf32>
      %jit3A_191 = arith.constant 5 : i32
      %broadcast_in_dim3A_192 = vector.broadcast %jit3A_191 : i32 to vector<256x1xi32>
      %select_n3A_193 = arith.select %gt3A_189, %broadcast_in_dim3A_192, %select_n3A_187 : vector<256x1xi1>, vector<256x1xi32>
      %slice3A_194 = vector.extract_strided_slice %add3A_160 {offsets = [0, 6], sizes = [256, 1], strides = [1, 1]} : vector<256x10xf32> to vector<256x1xf32>
      %gt3A_195 = arith.cmpf ogt, %slice3A_194, %select_n3A_190 : vector<256x1xf32>
      %select_n3A_196 = arith.select %gt3A_195, %slice3A_194, %select_n3A_190 : vector<256x1xi1>, vector<256x1xf32>
      %jit3A_197 = arith.constant 6 : i32
      %broadcast_in_dim3A_198 = vector.broadcast %jit3A_197 : i32 to vector<256x1xi32>
      %select_n3A_199 = arith.select %gt3A_195, %broadcast_in_dim3A_198, %select_n3A_193 : vector<256x1xi1>, vector<256x1xi32>
      %slice3A_200 = vector.extract_strided_slice %add3A_160 {offsets = [0, 7], sizes = [256, 1], strides = [1, 1]} : vector<256x10xf32> to vector<256x1xf32>
      %gt3A_201 = arith.cmpf ogt, %slice3A_200, %select_n3A_196 : vector<256x1xf32>
      %select_n3A_202 = arith.select %gt3A_201, %slice3A_200, %select_n3A_196 : vector<256x1xi1>, vector<256x1xf32>
      %jit3A_203 = arith.constant 7 : i32
      %broadcast_in_dim3A_204 = vector.broadcast %jit3A_203 : i32 to vector<256x1xi32>
      %select_n3A_205 = arith.select %gt3A_201, %broadcast_in_dim3A_204, %select_n3A_199 : vector<256x1xi1>, vector<256x1xi32>
      %slice3A_206 = vector.extract_strided_slice %add3A_160 {offsets = [0, 8], sizes = [256, 1], strides = [1, 1]} : vector<256x10xf32> to vector<256x1xf32>
      %gt3A_207 = arith.cmpf ogt, %slice3A_206, %select_n3A_202 : vector<256x1xf32>
      %select_n3A_208 = arith.select %gt3A_207, %slice3A_206, %select_n3A_202 : vector<256x1xi1>, vector<256x1xf32>
      %jit3A_209 = arith.constant 8 : i32
      %broadcast_in_dim3A_210 = vector.broadcast %jit3A_209 : i32 to vector<256x1xi32>
      %select_n3A_211 = arith.select %gt3A_207, %broadcast_in_dim3A_210, %select_n3A_205 : vector<256x1xi1>, vector<256x1xi32>
      %slice3A_212 = vector.extract_strided_slice %add3A_160 {offsets = [0, 9], sizes = [256, 1], strides = [1, 1]} : vector<256x10xf32> to vector<256x1xf32>
      %gt3A_213 = arith.cmpf ogt, %slice3A_212, %select_n3A_208 : vector<256x1xf32>
      %jit3A_214 = arith.constant 9 : i32
      %broadcast_in_dim3A_215 = vector.broadcast %jit3A_214 : i32 to vector<256x1xi32>
      %select_n3A_216 = arith.select %gt3A_213, %broadcast_in_dim3A_215, %select_n3A_211 : vector<256x1xi1>, vector<256x1xi32>
      %slice3A_217 = vector.extract_strided_slice %get3A_122 {offsets = [1, 0], sizes = [255, 128], strides = [1, 1]} : vector<256x128xf32> to vector<255x128xf32>
      %slice3A_218 = vector.extract_strided_slice %mul3A_128 {offsets = [0, 0], sizes = [1, 128], strides = [1, 1]} : vector<8x128xf32> to vector<1x128xf32>
      %concatenate3A = tpu.concatenate %slice3A_217, %slice3A_218 in 0 : vector<255x128xf32>, vector<1x128xf32> -> vector<256x128xf32>
      %add3A_219 = arith.addf %get3A_122, %concatenate3A : vector<256x128xf32>
      %sub3A_220 = arith.constant 2048 : i32
      %sub3A_221 = vector.broadcast %sub3A_220 : i32 to vector<256x1xi32>
      %sub3A_222 = arith.subi %sub3A_221, %add3A_134 : vector<256x1xi32>
      %min3A_223 = arith.constant 2 : i32
      %min3A_224 = vector.broadcast %min3A_223 : i32 to vector<256x1xi32>
      %min3A_225 = arith.minsi %min3A_224, %sub3A_222 : vector<256x1xi32>
      %convert_element_type3A_226 = arith.sitofp %min3A_225 : vector<256x1xi32> to vector<256x1xf32>
      %div3A_227 = vector.broadcast %convert_element_type3A_226 : vector<256x1xf32> to vector<256x128xf32>
      %div3A_228 = arith.divf %add3A_219, %div3A_227 : vector<256x128xf32>
      %swap3A_229 = arith.constant 0 : index
      %swap3A_230 = arith.constant 0 : index
      %swap3A_231 = arith.constant 1 : index
      %swap3A_232 = arith.constant 0 : index
      %swap3A_233 = vector.load %arg14[%swap3A_229, %swap3A_230, %swap3A_231, %swap3A_232] : memref<1x256x8x128xf32, #tpu.memory_space<vmem>>, vector<1x256x1x128xf32>
      %swap3A_234 = vector.shape_cast %swap3A_233 : vector<1x256x1x128xf32> to vector<256x128xf32>
      %swap3A_235 = vector.shape_cast %div3A_228 : vector<256x128xf32> to vector<1x256x1x128xf32>
      tpu.vector_store %arg14[%swap3A_229, %swap3A_230, %swap3A_231, %swap3A_232], %swap3A_235 {strides = array<i32>} : memref<1x256x8x128xf32, #tpu.memory_space<vmem>>, vector<1x256x1x128xf32>,
      %get3A_236 = arith.constant 0 : index
      %get3A_237 = arith.constant 0 : index
      %get3A_238 = vector.load %arg12[%get3A_236, %get3A_237] : memref<128x10xf32, #tpu.memory_space<vmem>>, vector<128x10xf32>
      %dot_general3A_239 = arith.constant dense<0.000000e+00> : vector<256x10xf32>
      %dot_general3A_240 = tpu.matmul %div3A_228, %get3A_238, %dot_general3A_239 {dimension_numbers = #tpu.dot_dimension_numbers<[1], [0], [0], [1], [0, 0, 1, 1], [], []>, transpose_lhs_hint = false} : vector<256x128xf32>, vector<128x10xf32>, vector<256x10xf32> -> vector<256x10xf32>
      %get3A_241 = arith.constant 0 : index
      %get3A_242 = arith.constant 0 : index
      %get3A_243 = vector.load %arg13[%get3A_241, %get3A_242] : memref<1x10xf32, #tpu.memory_space<vmem>>, vector<1x10xf32>
      %get3A_244 = vector.shape_cast %get3A_243 : vector<1x10xf32> to vector<10xf32>
      %broadcast_in_dim3A_245 = vector.shape_cast %get3A_244 : vector<10xf32> to vector<1x10xf32>
      %add3A_246 = vector.broadcast %broadcast_in_dim3A_245 : vector<1x10xf32> to vector<256x10xf32>
      %add3A_247 = arith.addf %dot_general3A_240, %add3A_246 : vector<256x10xf32>
      %slice3A_248 = vector.extract_strided_slice %add3A_247 {offsets = [0, 0], sizes = [256, 1], strides = [1, 1]} : vector<256x10xf32> to vector<256x1xf32>
      %broadcast_in_dim3A_249 = arith.constant 0 : i32
      %broadcast_in_dim3A_250 = vector.broadcast %broadcast_in_dim3A_249 : i32 to vector<256x1xi32>
      %slice3A_251 = vector.extract_strided_slice %add3A_247 {offsets = [0, 1], sizes = [256, 1], strides = [1, 1]} : vector<256x10xf32> to vector<256x1xf32>
      %gt3A_252 = arith.cmpf ogt, %slice3A_251, %slice3A_248 : vector<256x1xf32>
      %select_n3A_253 = arith.select %gt3A_252, %slice3A_251, %slice3A_248 : vector<256x1xi1>, vector<256x1xf32>
      %jit3A_254 = arith.constant 1 : i32
      %broadcast_in_dim3A_255 = vector.broadcast %jit3A_254 : i32 to vector<256x1xi32>
      %select_n3A_256 = arith.select %gt3A_252, %broadcast_in_dim3A_255, %broadcast_in_dim3A_250 : vector<256x1xi1>, vector<256x1xi32>
      %slice3A_257 = vector.extract_strided_slice %add3A_247 {offsets = [0, 2], sizes = [256, 1], strides = [1, 1]} : vector<256x10xf32> to vector<256x1xf32>
      %gt3A_258 = arith.cmpf ogt, %slice3A_257, %select_n3A_253 : vector<256x1xf32>
      %select_n3A_259 = arith.select %gt3A_258, %slice3A_257, %select_n3A_253 : vector<256x1xi1>, vector<256x1xf32>
      %jit3A_260 = arith.constant 2 : i32
      %broadcast_in_dim3A_261 = vector.broadcast %jit3A_260 : i32 to vector<256x1xi32>
      %select_n3A_262 = arith.select %gt3A_258, %broadcast_in_dim3A_261, %select_n3A_256 : vector<256x1xi1>, vector<256x1xi32>
      %slice3A_263 = vector.extract_strided_slice %add3A_247 {offsets = [0, 3], sizes = [256, 1], strides = [1, 1]} : vector<256x10xf32> to vector<256x1xf32>
      %gt3A_264 = arith.cmpf ogt, %slice3A_263, %select_n3A_259 : vector<256x1xf32>
      %select_n3A_265 = arith.select %gt3A_264, %slice3A_263, %select_n3A_259 : vector<256x1xi1>, vector<256x1xf32>
      %jit3A_266 = arith.constant 3 : i32
      %broadcast_in_dim3A_267 = vector.broadcast %jit3A_266 : i32 to vector<256x1xi32>
      %select_n3A_268 = arith.select %gt3A_264, %broadcast_in_dim3A_267, %select_n3A_262 : vector<256x1xi1>, vector<256x1xi32>
      %slice3A_269 = vector.extract_strided_slice %add3A_247 {offsets = [0, 4], sizes = [256, 1], strides = [1, 1]} : vector<256x10xf32> to vector<256x1xf32>
      %gt3A_270 = arith.cmpf ogt, %slice3A_269, %select_n3A_265 : vector<256x1xf32>
      %select_n3A_271 = arith.select %gt3A_270, %slice3A_269, %select_n3A_265 : vector<256x1xi1>, vector<256x1xf32>
      %jit3A_272 = arith.constant 4 : i32
      %broadcast_in_dim3A_273 = vector.broadcast %jit3A_272 : i32 to vector<256x1xi32>
      %select_n3A_274 = arith.select %gt3A_270, %broadcast_in_dim3A_273, %select_n3A_268 : vector<256x1xi1>, vector<256x1xi32>
      %slice3A_275 = vector.extract_strided_slice %add3A_247 {offsets = [0, 5], sizes = [256, 1], strides = [1, 1]} : vector<256x10xf32> to vector<256x1xf32>
      %gt3A_276 = arith.cmpf ogt, %slice3A_275, %select_n3A_271 : vector<256x1xf32>
      %select_n3A_277 = arith.select %gt3A_276, %slice3A_275, %select_n3A_271 : vector<256x1xi1>, vector<256x1xf32>
      %jit3A_278 = arith.constant 5 : i32
      %broadcast_in_dim3A_279 = vector.broadcast %jit3A_278 : i32 to vector<256x1xi32>
      %select_n3A_280 = arith.select %gt3A_276, %broadcast_in_dim3A_279, %select_n3A_274 : vector<256x1xi1>, vector<256x1xi32>
      %slice3A_281 = vector.extract_strided_slice %add3A_247 {offsets = [0, 6], sizes = [256, 1], strides = [1, 1]} : vector<256x10xf32> to vector<256x1xf32>
      %gt3A_282 = arith.cmpf ogt, %slice3A_281, %select_n3A_277 : vector<256x1xf32>
      %select_n3A_283 = arith.select %gt3A_282, %slice3A_281, %select_n3A_277 : vector<256x1xi1>, vector<256x1xf32>
      %jit3A_284 = arith.constant 6 : i32
      %broadcast_in_dim3A_285 = vector.broadcast %jit3A_284 : i32 to vector<256x1xi32>
      %select_n3A_286 = arith.select %gt3A_282, %broadcast_in_dim3A_285, %select_n3A_280 : vector<256x1xi1>, vector<256x1xi32>
      %slice3A_287 = vector.extract_strided_slice %add3A_247 {offsets = [0, 7], sizes = [256, 1], strides = [1, 1]} : vector<256x10xf32> to vector<256x1xf32>
      %gt3A_288 = arith.cmpf ogt, %slice3A_287, %select_n3A_283 : vector<256x1xf32>
      %select_n3A_289 = arith.select %gt3A_288, %slice3A_287, %select_n3A_283 : vector<256x1xi1>, vector<256x1xf32>
      %jit3A_290 = arith.constant 7 : i32
      %broadcast_in_dim3A_291 = vector.broadcast %jit3A_290 : i32 to vector<256x1xi32>
      %select_n3A_292 = arith.select %gt3A_288, %broadcast_in_dim3A_291, %select_n3A_286 : vector<256x1xi1>, vector<256x1xi32>
      %slice3A_293 = vector.extract_strided_slice %add3A_247 {offsets = [0, 8], sizes = [256, 1], strides = [1, 1]} : vector<256x10xf32> to vector<256x1xf32>
      %gt3A_294 = arith.cmpf ogt, %slice3A_293, %select_n3A_289 : vector<256x1xf32>
      %select_n3A_295 = arith.select %gt3A_294, %slice3A_293, %select_n3A_289 : vector<256x1xi1>, vector<256x1xf32>
      %jit3A_296 = arith.constant 8 : i32
      %broadcast_in_dim3A_297 = vector.broadcast %jit3A_296 : i32 to vector<256x1xi32>
      %select_n3A_298 = arith.select %gt3A_294, %broadcast_in_dim3A_297, %select_n3A_292 : vector<256x1xi1>, vector<256x1xi32>
      %slice3A_299 = vector.extract_strided_slice %add3A_247 {offsets = [0, 9], sizes = [256, 1], strides = [1, 1]} : vector<256x10xf32> to vector<256x1xf32>
      %gt3A_300 = arith.cmpf ogt, %slice3A_299, %select_n3A_295 : vector<256x1xf32>
      %jit3A_301 = arith.constant 9 : i32
      %broadcast_in_dim3A_302 = vector.broadcast %jit3A_301 : i32 to vector<256x1xi32>
      %select_n3A_303 = arith.select %gt3A_300, %broadcast_in_dim3A_302, %select_n3A_298 : vector<256x1xi1>, vector<256x1xi32>
      %slice3A_304 = vector.extract_strided_slice %get3A_122 {offsets = [2, 0], sizes = [254, 128], strides = [1, 1]} : vector<256x128xf32> to vector<254x128xf32>
      %slice3A_305 = vector.extract_strided_slice %mul3A_128 {offsets = [0, 0], sizes = [2, 128], strides = [1, 1]} : vector<8x128xf32> to vector<2x128xf32>
      %concatenate3A_306 = tpu.concatenate %slice3A_304, %slice3A_305 in 0 : vector<254x128xf32>, vector<2x128xf32> -> vector<256x128xf32>
      %add3A_307 = arith.addf %add3A_219, %concatenate3A_306 : vector<256x128xf32>
      %sub3A_308 = arith.constant 2048 : i32
      %sub3A_309 = vector.broadcast %sub3A_308 : i32 to vector<256x1xi32>
      %sub3A_310 = arith.subi %sub3A_309, %add3A_134 : vector<256x1xi32>
      %min3A_311 = arith.constant 3 : i32
      %min3A_312 = vector.broadcast %min3A_311 : i32 to vector<256x1xi32>
      %min3A_313 = arith.minsi %min3A_312, %sub3A_310 : vector<256x1xi32>
      %convert_element_type3A_314 = arith.sitofp %min3A_313 : vector<256x1xi32> to vector<256x1xf32>
      %div3A_315 = vector.broadcast %convert_element_type3A_314 : vector<256x1xf32> to vector<256x128xf32>
      %div3A_316 = arith.divf %add3A_307, %div3A_315 : vector<256x128xf32>
      %swap3A_317 = arith.constant 0 : index
      %swap3A_318 = arith.constant 0 : index
      %swap3A_319 = arith.constant 2 : index
      %swap3A_320 = arith.constant 0 : index
      %swap3A_321 = vector.load %arg14[%swap3A_317, %swap3A_318, %swap3A_319, %swap3A_320] : memref<1x256x8x128xf32, #tpu.memory_space<vmem>>, vector<1x256x1x128xf32>
      %swap3A_322 = vector.shape_cast %swap3A_321 : vector<1x256x1x128xf32> to vector<256x128xf32>
      %swap3A_323 = vector.shape_cast %div3A_316 : vector<256x128xf32> to vector<1x256x1x128xf32>
      tpu.vector_store %arg14[%swap3A_317, %swap3A_318, %swap3A_319, %swap3A_320], %swap3A_323 {strides = array<i32>} : memref<1x256x8x128xf32, #tpu.memory_space<vmem>>, vector<1x256x1x128xf32>,
      %get3A_324 = arith.constant 0 : index
      %get3A_325 = arith.constant 0 : index
      %get3A_326 = vector.load %arg12[%get3A_324, %get3A_325] : memref<128x10xf32, #tpu.memory_space<vmem>>, vector<128x10xf32>
      %dot_general3A_327 = arith.constant dense<0.000000e+00> : vector<256x10xf32>
      %dot_general3A_328 = tpu.matmul %div3A_316, %get3A_326, %dot_general3A_327 {dimension_numbers = #tpu.dot_dimension_numbers<[1], [0], [0], [1], [0, 0, 1, 1], [], []>, transpose_lhs_hint = false} : vector<256x128xf32>, vector<128x10xf32>, vector<256x10xf32> -> vector<256x10xf32>
      %get3A_329 = arith.constant 0 : index
      %get3A_330 = arith.constant 0 : index
      %get3A_331 = vector.load %arg13[%get3A_329, %get3A_330] : memref<1x10xf32, #tpu.memory_space<vmem>>, vector<1x10xf32>
      %get3A_332 = vector.shape_cast %get3A_331 : vector<1x10xf32> to vector<10xf32>
      %broadcast_in_dim3A_333 = vector.shape_cast %get3A_332 : vector<10xf32> to vector<1x10xf32>
      %add3A_334 = vector.broadcast %broadcast_in_dim3A_333 : vector<1x10xf32> to vector<256x10xf32>
      %add3A_335 = arith.addf %dot_general3A_328, %add3A_334 : vector<256x10xf32>
      %slice3A_336 = vector.extract_strided_slice %add3A_335 {offsets = [0, 0], sizes = [256, 1], strides = [1, 1]} : vector<256x10xf32> to vector<256x1xf32>
      %broadcast_in_dim3A_337 = arith.constant 0 : i32
      %broadcast_in_dim3A_338 = vector.broadcast %broadcast_in_dim3A_337 : i32 to vector<256x1xi32>
      %slice3A_339 = vector.extract_strided_slice %add3A_335 {offsets = [0, 1], sizes = [256, 1], strides = [1, 1]} : vector<256x10xf32> to vector<256x1xf32>
      %gt3A_340 = arith.cmpf ogt, %slice3A_339, %slice3A_336 : vector<256x1xf32>
      %select_n3A_341 = arith.select %gt3A_340, %slice3A_339, %slice3A_336 : vector<256x1xi1>, vector<256x1xf32>
      %jit3A_342 = arith.constant 1 : i32
      %broadcast_in_dim3A_343 = vector.broadcast %jit3A_342 : i32 to vector<256x1xi32>
      %select_n3A_344 = arith.select %gt3A_340, %broadcast_in_dim3A_343, %broadcast_in_dim3A_338 : vector<256x1xi1>, vector<256x1xi32>
      %slice3A_345 = vector.extract_strided_slice %add3A_335 {offsets = [0, 2], sizes = [256, 1], strides = [1, 1]} : vector<256x10xf32> to vector<256x1xf32>
      %gt3A_346 = arith.cmpf ogt, %slice3A_345, %select_n3A_341 : vector<256x1xf32>
      %select_n3A_347 = arith.select %gt3A_346, %slice3A_345, %select_n3A_341 : vector<256x1xi1>, vector<256x1xf32>
      %jit3A_348 = arith.constant 2 : i32
      %broadcast_in_dim3A_349 = vector.broadcast %jit3A_348 : i32 to vector<256x1xi32>
      %select_n3A_350 = arith.select %gt3A_346, %broadcast_in_dim3A_349, %select_n3A_344 : vector<256x1xi1>, vector<256x1xi32>
      %slice3A_351 = vector.extract_strided_slice %add3A_335 {offsets = [0, 3], sizes = [256, 1], strides = [1, 1]} : vector<256x10xf32> to vector<256x1xf32>
      %gt3A_352 = arith.cmpf ogt, %slice3A_351, %select_n3A_347 : vector<256x1xf32>
      %select_n3A_353 = arith.select %gt3A_352, %slice3A_351, %select_n3A_347 : vector<256x1xi1>, vector<256x1xf32>
      %jit3A_354 = arith.constant 3 : i32
      %broadcast_in_dim3A_355 = vector.broadcast %jit3A_354 : i32 to vector<256x1xi32>
      %select_n3A_356 = arith.select %gt3A_352, %broadcast_in_dim3A_355, %select_n3A_350 : vector<256x1xi1>, vector<256x1xi32>
      %slice3A_357 = vector.extract_strided_slice %add3A_335 {offsets = [0, 4], sizes = [256, 1], strides = [1, 1]} : vector<256x10xf32> to vector<256x1xf32>
      %gt3A_358 = arith.cmpf ogt, %slice3A_357, %select_n3A_353 : vector<256x1xf32>
      %select_n3A_359 = arith.select %gt3A_358, %slice3A_357, %select_n3A_353 : vector<256x1xi1>, vector<256x1xf32>
      %jit3A_360 = arith.constant 4 : i32
      %broadcast_in_dim3A_361 = vector.broadcast %jit3A_360 : i32 to vector<256x1xi32>
      %select_n3A_362 = arith.select %gt3A_358, %broadcast_in_dim3A_361, %select_n3A_356 : vector<256x1xi1>, vector<256x1xi32>
      %slice3A_363 = vector.extract_strided_slice %add3A_335 {offsets = [0, 5], sizes = [256, 1], strides = [1, 1]} : vector<256x10xf32> to vector<256x1xf32>
      %gt3A_364 = arith.cmpf ogt, %slice3A_363, %select_n3A_359 : vector<256x1xf32>
      %select_n3A_365 = arith.select %gt3A_364, %slice3A_363, %select_n3A_359 : vector<256x1xi1>, vector<256x1xf32>
      %jit3A_366 = arith.constant 5 : i32
      %broadcast_in_dim3A_367 = vector.broadcast %jit3A_366 : i32 to vector<256x1xi32>
      %select_n3A_368 = arith.select %gt3A_364, %broadcast_in_dim3A_367, %select_n3A_362 : vector<256x1xi1>, vector<256x1xi32>
      %slice3A_369 = vector.extract_strided_slice %add3A_335 {offsets = [0, 6], sizes = [256, 1], strides = [1, 1]} : vector<256x10xf32> to vector<256x1xf32>
      %gt3A_370 = arith.cmpf ogt, %slice3A_369, %select_n3A_365 : vector<256x1xf32>
      %select_n3A_371 = arith.select %gt3A_370, %slice3A_369, %select_n3A_365 : vector<256x1xi1>, vector<256x1xf32>
      %jit3A_372 = arith.constant 6 : i32
      %broadcast_in_dim3A_373 = vector.broadcast %jit3A_372 : i32 to vector<256x1xi32>
      %select_n3A_374 = arith.select %gt3A_370, %broadcast_in_dim3A_373, %select_n3A_368 : vector<256x1xi1>, vector<256x1xi32>
      %slice3A_375 = vector.extract_strided_slice %add3A_335 {offsets = [0, 7], sizes = [256, 1], strides = [1, 1]} : vector<256x10xf32> to vector<256x1xf32>
      %gt3A_376 = arith.cmpf ogt, %slice3A_375, %select_n3A_371 : vector<256x1xf32>
      %select_n3A_377 = arith.select %gt3A_376, %slice3A_375, %select_n3A_371 : vector<256x1xi1>, vector<256x1xf32>
      %jit3A_378 = arith.constant 7 : i32
      %broadcast_in_dim3A_379 = vector.broadcast %jit3A_378 : i32 to vector<256x1xi32>
      %select_n3A_380 = arith.select %gt3A_376, %broadcast_in_dim3A_379, %select_n3A_374 : vector<256x1xi1>, vector<256x1xi32>
      %slice3A_381 = vector.extract_strided_slice %add3A_335 {offsets = [0, 8], sizes = [256, 1], strides = [1, 1]} : vector<256x10xf32> to vector<256x1xf32>
      %gt3A_382 = arith.cmpf ogt, %slice3A_381, %select_n3A_377 : vector<256x1xf32>
      %select_n3A_383 = arith.select %gt3A_382, %slice3A_381, %select_n3A_377 : vector<256x1xi1>, vector<256x1xf32>
      %jit3A_384 = arith.constant 8 : i32
      %broadcast_in_dim3A_385 = vector.broadcast %jit3A_384 : i32 to vector<256x1xi32>
      %select_n3A_386 = arith.select %gt3A_382, %broadcast_in_dim3A_385, %select_n3A_380 : vector<256x1xi1>, vector<256x1xi32>
      %slice3A_387 = vector.extract_strided_slice %add3A_335 {offsets = [0, 9], sizes = [256, 1], strides = [1, 1]} : vector<256x10xf32> to vector<256x1xf32>
      %gt3A_388 = arith.cmpf ogt, %slice3A_387, %select_n3A_383 : vector<256x1xf32>
      %jit3A_389 = arith.constant 9 : i32
      %broadcast_in_dim3A_390 = vector.broadcast %jit3A_389 : i32 to vector<256x1xi32>
      %select_n3A_391 = arith.select %gt3A_388, %broadcast_in_dim3A_390, %select_n3A_386 : vector<256x1xi1>, vector<256x1xi32>
      %slice3A_392 = vector.extract_strided_slice %get3A_122 {offsets = [3, 0], sizes = [253, 128], strides = [1, 1]} : vector<256x128xf32> to vector<253x128xf32>
      %slice3A_393 = vector.extract_strided_slice %mul3A_128 {offsets = [0, 0], sizes = [3, 128], strides = [1, 1]} : vector<8x128xf32> to vector<3x128xf32>
      %concatenate3A_394 = tpu.concatenate %slice3A_392, %slice3A_393 in 0 : vector<253x128xf32>, vector<3x128xf32> -> vector<256x128xf32>
      %add3A_395 = arith.addf %add3A_307, %concatenate3A_394 : vector<256x128xf32>
      %sub3A_396 = arith.constant 2048 : i32
      %sub3A_397 = vector.broadcast %sub3A_396 : i32 to vector<256x1xi32>
      %sub3A_398 = arith.subi %sub3A_397, %add3A_134 : vector<256x1xi32>
      %min3A_399 = arith.constant 4 : i32
      %min3A_400 = vector.broadcast %min3A_399 : i32 to vector<256x1xi32>
      %min3A_401 = arith.minsi %min3A_400, %sub3A_398 : vector<256x1xi32>
      %convert_element_type3A_402 = arith.sitofp %min3A_401 : vector<256x1xi32> to vector<256x1xf32>
      %div3A_403 = vector.broadcast %convert_element_type3A_402 : vector<256x1xf32> to vector<256x128xf32>
      %div3A_404 = arith.divf %add3A_395, %div3A_403 : vector<256x128xf32>
      %swap3A_405 = arith.constant 0 : index
      %swap3A_406 = arith.constant 0 : index
      %swap3A_407 = arith.constant 3 : index
      %swap3A_408 = arith.constant 0 : index
      %swap3A_409 = vector.load %arg14[%swap3A_405, %swap3A_406, %swap3A_407, %swap3A_408] : memref<1x256x8x128xf32, #tpu.memory_space<vmem>>, vector<1x256x1x128xf32>
      %swap3A_410 = vector.shape_cast %swap3A_409 : vector<1x256x1x128xf32> to vector<256x128xf32>
      %swap3A_411 = vector.shape_cast %div3A_404 : vector<256x128xf32> to vector<1x256x1x128xf32>
      tpu.vector_store %arg14[%swap3A_405, %swap3A_406, %swap3A_407, %swap3A_408], %swap3A_411 {strides = array<i32>} : memref<1x256x8x128xf32, #tpu.memory_space<vmem>>, vector<1x256x1x128xf32>,
      %get3A_412 = arith.constant 0 : index
      %get3A_413 = arith.constant 0 : index
      %get3A_414 = vector.load %arg12[%get3A_412, %get3A_413] : memref<128x10xf32, #tpu.memory_space<vmem>>, vector<128x10xf32>
      %dot_general3A_415 = arith.constant dense<0.000000e+00> : vector<256x10xf32>
      %dot_general3A_416 = tpu.matmul %div3A_404, %get3A_414, %dot_general3A_415 {dimension_numbers = #tpu.dot_dimension_numbers<[1], [0], [0], [1], [0, 0, 1, 1], [], []>, transpose_lhs_hint = false} : vector<256x128xf32>, vector<128x10xf32>, vector<256x10xf32> -> vector<256x10xf32>
      %get3A_417 = arith.constant 0 : index
      %get3A_418 = arith.constant 0 : index
      %get3A_419 = vector.load %arg13[%get3A_417, %get3A_418] : memref<1x10xf32, #tpu.memory_space<vmem>>, vector<1x10xf32>
      %get3A_420 = vector.shape_cast %get3A_419 : vector<1x10xf32> to vector<10xf32>
      %broadcast_in_dim3A_421 = vector.shape_cast %get3A_420 : vector<10xf32> to vector<1x10xf32>
      %add3A_422 = vector.broadcast %broadcast_in_dim3A_421 : vector<1x10xf32> to vector<256x10xf32>
      %add3A_423 = arith.addf %dot_general3A_416, %add3A_422 : vector<256x10xf32>
      %slice3A_424 = vector.extract_strided_slice %add3A_423 {offsets = [0, 0], sizes = [256, 1], strides = [1, 1]} : vector<256x10xf32> to vector<256x1xf32>
      %broadcast_in_dim3A_425 = arith.constant 0 : i32
      %broadcast_in_dim3A_426 = vector.broadcast %broadcast_in_dim3A_425 : i32 to vector<256x1xi32>
      %slice3A_427 = vector.extract_strided_slice %add3A_423 {offsets = [0, 1], sizes = [256, 1], strides = [1, 1]} : vector<256x10xf32> to vector<256x1xf32>
      %gt3A_428 = arith.cmpf ogt, %slice3A_427, %slice3A_424 : vector<256x1xf32>
      %select_n3A_429 = arith.select %gt3A_428, %slice3A_427, %slice3A_424 : vector<256x1xi1>, vector<256x1xf32>
      %jit3A_430 = arith.constant 1 : i32
      %broadcast_in_dim3A_431 = vector.broadcast %jit3A_430 : i32 to vector<256x1xi32>
      %select_n3A_432 = arith.select %gt3A_428, %broadcast_in_dim3A_431, %broadcast_in_dim3A_426 : vector<256x1xi1>, vector<256x1xi32>
      %slice3A_433 = vector.extract_strided_slice %add3A_423 {offsets = [0, 2], sizes = [256, 1], strides = [1, 1]} : vector<256x10xf32> to vector<256x1xf32>
      %gt3A_434 = arith.cmpf ogt, %slice3A_433, %select_n3A_429 : vector<256x1xf32>
      %select_n3A_435 = arith.select %gt3A_434, %slice3A_433, %select_n3A_429 : vector<256x1xi1>, vector<256x1xf32>
      %jit3A_436 = arith.constant 2 : i32
      %broadcast_in_dim3A_437 = vector.broadcast %jit3A_436 : i32 to vector<256x1xi32>
      %select_n3A_438 = arith.select %gt3A_434, %broadcast_in_dim3A_437, %select_n3A_432 : vector<256x1xi1>, vector<256x1xi32>
      %slice3A_439 = vector.extract_strided_slice %add3A_423 {offsets = [0, 3], sizes = [256, 1], strides = [1, 1]} : vector<256x10xf32> to vector<256x1xf32>
      %gt3A_440 = arith.cmpf ogt, %slice3A_439, %select_n3A_435 : vector<256x1xf32>
      %select_n3A_441 = arith.select %gt3A_440, %slice3A_439, %select_n3A_435 : vector<256x1xi1>, vector<256x1xf32>
      %jit3A_442 = arith.constant 3 : i32
      %broadcast_in_dim3A_443 = vector.broadcast %jit3A_442 : i32 to vector<256x1xi32>
      %select_n3A_444 = arith.select %gt3A_440, %broadcast_in_dim3A_443, %select_n3A_438 : vector<256x1xi1>, vector<256x1xi32>
      %slice3A_445 = vector.extract_strided_slice %add3A_423 {offsets = [0, 4], sizes = [256, 1], strides = [1, 1]} : vector<256x10xf32> to vector<256x1xf32>
      %gt3A_446 = arith.cmpf ogt, %slice3A_445, %select_n3A_441 : vector<256x1xf32>
      %select_n3A_447 = arith.select %gt3A_446, %slice3A_445, %select_n3A_441 : vector<256x1xi1>, vector<256x1xf32>
      %jit3A_448 = arith.constant 4 : i32
      %broadcast_in_dim3A_449 = vector.broadcast %jit3A_448 : i32 to vector<256x1xi32>
      %select_n3A_450 = arith.select %gt3A_446, %broadcast_in_dim3A_449, %select_n3A_444 : vector<256x1xi1>, vector<256x1xi32>
      %slice3A_451 = vector.extract_strided_slice %add3A_423 {offsets = [0, 5], sizes = [256, 1], strides = [1, 1]} : vector<256x10xf32> to vector<256x1xf32>
      %gt3A_452 = arith.cmpf ogt, %slice3A_451, %select_n3A_447 : vector<256x1xf32>
      %select_n3A_453 = arith.select %gt3A_452, %slice3A_451, %select_n3A_447 : vector<256x1xi1>, vector<256x1xf32>
      %jit3A_454 = arith.constant 5 : i32
      %broadcast_in_dim3A_455 = vector.broadcast %jit3A_454 : i32 to vector<256x1xi32>
      %select_n3A_456 = arith.select %gt3A_452, %broadcast_in_dim3A_455, %select_n3A_450 : vector<256x1xi1>, vector<256x1xi32>
      %slice3A_457 = vector.extract_strided_slice %add3A_423 {offsets = [0, 6], sizes = [256, 1], strides = [1, 1]} : vector<256x10xf32> to vector<256x1xf32>
      %gt3A_458 = arith.cmpf ogt, %slice3A_457, %select_n3A_453 : vector<256x1xf32>
      %select_n3A_459 = arith.select %gt3A_458, %slice3A_457, %select_n3A_453 : vector<256x1xi1>, vector<256x1xf32>
      %jit3A_460 = arith.constant 6 : i32
      %broadcast_in_dim3A_461 = vector.broadcast %jit3A_460 : i32 to vector<256x1xi32>
      %select_n3A_462 = arith.select %gt3A_458, %broadcast_in_dim3A_461, %select_n3A_456 : vector<256x1xi1>, vector<256x1xi32>
      %slice3A_463 = vector.extract_strided_slice %add3A_423 {offsets = [0, 7], sizes = [256, 1], strides = [1, 1]} : vector<256x10xf32> to vector<256x1xf32>
      %gt3A_464 = arith.cmpf ogt, %slice3A_463, %select_n3A_459 : vector<256x1xf32>
      %select_n3A_465 = arith.select %gt3A_464, %slice3A_463, %select_n3A_459 : vector<256x1xi1>, vector<256x1xf32>
      %jit3A_466 = arith.constant 7 : i32
      %broadcast_in_dim3A_467 = vector.broadcast %jit3A_466 : i32 to vector<256x1xi32>
      %select_n3A_468 = arith.select %gt3A_464, %broadcast_in_dim3A_467, %select_n3A_462 : vector<256x1xi1>, vector<256x1xi32>
      %slice3A_469 = vector.extract_strided_slice %add3A_423 {offsets = [0, 8], sizes = [256, 1], strides = [1, 1]} : vector<256x10xf32> to vector<256x1xf32>
      %gt3A_470 = arith.cmpf ogt, %slice3A_469, %select_n3A_465 : vector<256x1xf32>
      %select_n3A_471 = arith.select %gt3A_470, %slice3A_469, %select_n3A_465 : vector<256x1xi1>, vector<256x1xf32>
      %jit3A_472 = arith.constant 8 : i32
      %broadcast_in_dim3A_473 = vector.broadcast %jit3A_472 : i32 to vector<256x1xi32>
      %select_n3A_474 = arith.select %gt3A_470, %broadcast_in_dim3A_473, %select_n3A_468 : vector<256x1xi1>, vector<256x1xi32>
      %slice3A_475 = vector.extract_strided_slice %add3A_423 {offsets = [0, 9], sizes = [256, 1], strides = [1, 1]} : vector<256x10xf32> to vector<256x1xf32>
      %gt3A_476 = arith.cmpf ogt, %slice3A_475, %select_n3A_471 : vector<256x1xf32>
      %jit3A_477 = arith.constant 9 : i32
      %broadcast_in_dim3A_478 = vector.broadcast %jit3A_477 : i32 to vector<256x1xi32>
      %select_n3A_479 = arith.select %gt3A_476, %broadcast_in_dim3A_478, %select_n3A_474 : vector<256x1xi1>, vector<256x1xi32>
      %slice3A_480 = vector.extract_strided_slice %get3A_122 {offsets = [4, 0], sizes = [252, 128], strides = [1, 1]} : vector<256x128xf32> to vector<252x128xf32>
      %slice3A_481 = vector.extract_strided_slice %mul3A_128 {offsets = [0, 0], sizes = [4, 128], strides = [1, 1]} : vector<8x128xf32> to vector<4x128xf32>
      %concatenate3A_482 = tpu.concatenate %slice3A_480, %slice3A_481 in 0 : vector<252x128xf32>, vector<4x128xf32> -> vector<256x128xf32>
      %add3A_483 = arith.addf %add3A_395, %concatenate3A_482 : vector<256x128xf32>
      %sub3A_484 = arith.constant 2048 : i32
      %sub3A_485 = vector.broadcast %sub3A_484 : i32 to vector<256x1xi32>
      %sub3A_486 = arith.subi %sub3A_485, %add3A_134 : vector<256x1xi32>
      %min3A_487 = arith.constant 5 : i32
      %min3A_488 = vector.broadcast %min3A_487 : i32 to vector<256x1xi32>
      %min3A_489 = arith.minsi %min3A_488, %sub3A_486 : vector<256x1xi32>
      %convert_element_type3A_490 = arith.sitofp %min3A_489 : vector<256x1xi32> to vector<256x1xf32>
      %div3A_491 = vector.broadcast %convert_element_type3A_490 : vector<256x1xf32> to vector<256x128xf32>
      %div3A_492 = arith.divf %add3A_483, %div3A_491 : vector<256x128xf32>
      %swap3A_493 = arith.constant 0 : index
      %swap3A_494 = arith.constant 0 : index
      %swap3A_495 = arith.constant 4 : index
      %swap3A_496 = arith.constant 0 : index
      %swap3A_497 = vector.load %arg14[%swap3A_493, %swap3A_494, %swap3A_495, %swap3A_496] : memref<1x256x8x128xf32, #tpu.memory_space<vmem>>, vector<1x256x1x128xf32>
      %swap3A_498 = vector.shape_cast %swap3A_497 : vector<1x256x1x128xf32> to vector<256x128xf32>
      %swap3A_499 = vector.shape_cast %div3A_492 : vector<256x128xf32> to vector<1x256x1x128xf32>
      tpu.vector_store %arg14[%swap3A_493, %swap3A_494, %swap3A_495, %swap3A_496], %swap3A_499 {strides = array<i32>} : memref<1x256x8x128xf32, #tpu.memory_space<vmem>>, vector<1x256x1x128xf32>,
      %get3A_500 = arith.constant 0 : index
      %get3A_501 = arith.constant 0 : index
      %get3A_502 = vector.load %arg12[%get3A_500, %get3A_501] : memref<128x10xf32, #tpu.memory_space<vmem>>, vector<128x10xf32>
      %dot_general3A_503 = arith.constant dense<0.000000e+00> : vector<256x10xf32>
      %dot_general3A_504 = tpu.matmul %div3A_492, %get3A_502, %dot_general3A_503 {dimension_numbers = #tpu.dot_dimension_numbers<[1], [0], [0], [1], [0, 0, 1, 1], [], []>, transpose_lhs_hint = false} : vector<256x128xf32>, vector<128x10xf32>, vector<256x10xf32> -> vector<256x10xf32>
      %get3A_505 = arith.constant 0 : index
      %get3A_506 = arith.constant 0 : index
      %get3A_507 = vector.load %arg13[%get3A_505, %get3A_506] : memref<1x10xf32, #tpu.memory_space<vmem>>, vector<1x10xf32>
      %get3A_508 = vector.shape_cast %get3A_507 : vector<1x10xf32> to vector<10xf32>
      %broadcast_in_dim3A_509 = vector.shape_cast %get3A_508 : vector<10xf32> to vector<1x10xf32>
      %add3A_510 = vector.broadcast %broadcast_in_dim3A_509 : vector<1x10xf32> to vector<256x10xf32>
      %add3A_511 = arith.addf %dot_general3A_504, %add3A_510 : vector<256x10xf32>
      %slice3A_512 = vector.extract_strided_slice %add3A_511 {offsets = [0, 0], sizes = [256, 1], strides = [1, 1]} : vector<256x10xf32> to vector<256x1xf32>
      %broadcast_in_dim3A_513 = arith.constant 0 : i32
      %broadcast_in_dim3A_514 = vector.broadcast %broadcast_in_dim3A_513 : i32 to vector<256x1xi32>
      %slice3A_515 = vector.extract_strided_slice %add3A_511 {offsets = [0, 1], sizes = [256, 1], strides = [1, 1]} : vector<256x10xf32> to vector<256x1xf32>
      %gt3A_516 = arith.cmpf ogt, %slice3A_515, %slice3A_512 : vector<256x1xf32>
      %select_n3A_517 = arith.select %gt3A_516, %slice3A_515, %slice3A_512 : vector<256x1xi1>, vector<256x1xf32>
      %jit3A_518 = arith.constant 1 : i32
      %broadcast_in_dim3A_519 = vector.broadcast %jit3A_518 : i32 to vector<256x1xi32>
      %select_n3A_520 = arith.select %gt3A_516, %broadcast_in_dim3A_519, %broadcast_in_dim3A_514 : vector<256x1xi1>, vector<256x1xi32>
      %slice3A_521 = vector.extract_strided_slice %add3A_511 {offsets = [0, 2], sizes = [256, 1], strides = [1, 1]} : vector<256x10xf32> to vector<256x1xf32>
      %gt3A_522 = arith.cmpf ogt, %slice3A_521, %select_n3A_517 : vector<256x1xf32>
      %select_n3A_523 = arith.select %gt3A_522, %slice3A_521, %select_n3A_517 : vector<256x1xi1>, vector<256x1xf32>
      %jit3A_524 = arith.constant 2 : i32
      %broadcast_in_dim3A_525 = vector.broadcast %jit3A_524 : i32 to vector<256x1xi32>
      %select_n3A_526 = arith.select %gt3A_522, %broadcast_in_dim3A_525, %select_n3A_520 : vector<256x1xi1>, vector<256x1xi32>
      %slice3A_527 = vector.extract_strided_slice %add3A_511 {offsets = [0, 3], sizes = [256, 1], strides = [1, 1]} : vector<256x10xf32> to vector<256x1xf32>
      %gt3A_528 = arith.cmpf ogt, %slice3A_527, %select_n3A_523 : vector<256x1xf32>
      %select_n3A_529 = arith.select %gt3A_528, %slice3A_527, %select_n3A_523 : vector<256x1xi1>, vector<256x1xf32>
      %jit3A_530 = arith.constant 3 : i32
      %broadcast_in_dim3A_531 = vector.broadcast %jit3A_530 : i32 to vector<256x1xi32>
      %select_n3A_532 = arith.select %gt3A_528, %broadcast_in_dim3A_531, %select_n3A_526 : vector<256x1xi1>, vector<256x1xi32>
      %slice3A_533 = vector.extract_strided_slice %add3A_511 {offsets = [0, 4], sizes = [256, 1], strides = [1, 1]} : vector<256x10xf32> to vector<256x1xf32>
      %gt3A_534 = arith.cmpf ogt, %slice3A_533, %select_n3A_529 : vector<256x1xf32>
      %select_n3A_535 = arith.select %gt3A_534, %slice3A_533, %select_n3A_529 : vector<256x1xi1>, vector<256x1xf32>
      %jit3A_536 = arith.constant 4 : i32
      %broadcast_in_dim3A_537 = vector.broadcast %jit3A_536 : i32 to vector<256x1xi32>
      %select_n3A_538 = arith.select %gt3A_534, %broadcast_in_dim3A_537, %select_n3A_532 : vector<256x1xi1>, vector<256x1xi32>
      %slice3A_539 = vector.extract_strided_slice %add3A_511 {offsets = [0, 5], sizes = [256, 1], strides = [1, 1]} : vector<256x10xf32> to vector<256x1xf32>
      %gt3A_540 = arith.cmpf ogt, %slice3A_539, %select_n3A_535 : vector<256x1xf32>
      %select_n3A_541 = arith.select %gt3A_540, %slice3A_539, %select_n3A_535 : vector<256x1xi1>, vector<256x1xf32>
      %jit3A_542 = arith.constant 5 : i32
      %broadcast_in_dim3A_543 = vector.broadcast %jit3A_542 : i32 to vector<256x1xi32>
      %select_n3A_544 = arith.select %gt3A_540, %broadcast_in_dim3A_543, %select_n3A_538 : vector<256x1xi1>, vector<256x1xi32>
      %slice3A_545 = vector.extract_strided_slice %add3A_511 {offsets = [0, 6], sizes = [256, 1], strides = [1, 1]} : vector<256x10xf32> to vector<256x1xf32>
      %gt3A_546 = arith.cmpf ogt, %slice3A_545, %select_n3A_541 : vector<256x1xf32>
      %select_n3A_547 = arith.select %gt3A_546, %slice3A_545, %select_n3A_541 : vector<256x1xi1>, vector<256x1xf32>
      %jit3A_548 = arith.constant 6 : i32
      %broadcast_in_dim3A_549 = vector.broadcast %jit3A_548 : i32 to vector<256x1xi32>
      %select_n3A_550 = arith.select %gt3A_546, %broadcast_in_dim3A_549, %select_n3A_544 : vector<256x1xi1>, vector<256x1xi32>
      %slice3A_551 = vector.extract_strided_slice %add3A_511 {offsets = [0, 7], sizes = [256, 1], strides = [1, 1]} : vector<256x10xf32> to vector<256x1xf32>
      %gt3A_552 = arith.cmpf ogt, %slice3A_551, %select_n3A_547 : vector<256x1xf32>
      %select_n3A_553 = arith.select %gt3A_552, %slice3A_551, %select_n3A_547 : vector<256x1xi1>, vector<256x1xf32>
      %jit3A_554 = arith.constant 7 : i32
      %broadcast_in_dim3A_555 = vector.broadcast %jit3A_554 : i32 to vector<256x1xi32>
      %select_n3A_556 = arith.select %gt3A_552, %broadcast_in_dim3A_555, %select_n3A_550 : vector<256x1xi1>, vector<256x1xi32>
      %slice3A_557 = vector.extract_strided_slice %add3A_511 {offsets = [0, 8], sizes = [256, 1], strides = [1, 1]} : vector<256x10xf32> to vector<256x1xf32>
      %gt3A_558 = arith.cmpf ogt, %slice3A_557, %select_n3A_553 : vector<256x1xf32>
      %select_n3A_559 = arith.select %gt3A_558, %slice3A_557, %select_n3A_553 : vector<256x1xi1>, vector<256x1xf32>
      %jit3A_560 = arith.constant 8 : i32
      %broadcast_in_dim3A_561 = vector.broadcast %jit3A_560 : i32 to vector<256x1xi32>
      %select_n3A_562 = arith.select %gt3A_558, %broadcast_in_dim3A_561, %select_n3A_556 : vector<256x1xi1>, vector<256x1xi32>
      %slice3A_563 = vector.extract_strided_slice %add3A_511 {offsets = [0, 9], sizes = [256, 1], strides = [1, 1]} : vector<256x10xf32> to vector<256x1xf32>
      %gt3A_564 = arith.cmpf ogt, %slice3A_563, %select_n3A_559 : vector<256x1xf32>
      %jit3A_565 = arith.constant 9 : i32
      %broadcast_in_dim3A_566 = vector.broadcast %jit3A_565 : i32 to vector<256x1xi32>
      %select_n3A_567 = arith.select %gt3A_564, %broadcast_in_dim3A_566, %select_n3A_562 : vector<256x1xi1>, vector<256x1xi32>
      %slice3A_568 = vector.extract_strided_slice %get3A_122 {offsets = [5, 0], sizes = [251, 128], strides = [1, 1]} : vector<256x128xf32> to vector<251x128xf32>
      %slice3A_569 = vector.extract_strided_slice %mul3A_128 {offsets = [0, 0], sizes = [5, 128], strides = [1, 1]} : vector<8x128xf32> to vector<5x128xf32>
      %concatenate3A_570 = tpu.concatenate %slice3A_568, %slice3A_569 in 0 : vector<251x128xf32>, vector<5x128xf32> -> vector<256x128xf32>
      %add3A_571 = arith.addf %add3A_483, %concatenate3A_570 : vector<256x128xf32>
      %sub3A_572 = arith.constant 2048 : i32
      %sub3A_573 = vector.broadcast %sub3A_572 : i32 to vector<256x1xi32>
      %sub3A_574 = arith.subi %sub3A_573, %add3A_134 : vector<256x1xi32>
      %min3A_575 = arith.constant 6 : i32
      %min3A_576 = vector.broadcast %min3A_575 : i32 to vector<256x1xi32>
      %min3A_577 = arith.minsi %min3A_576, %sub3A_574 : vector<256x1xi32>
      %convert_element_type3A_578 = arith.sitofp %min3A_577 : vector<256x1xi32> to vector<256x1xf32>
      %div3A_579 = vector.broadcast %convert_element_type3A_578 : vector<256x1xf32> to vector<256x128xf32>
      %div3A_580 = arith.divf %add3A_571, %div3A_579 : vector<256x128xf32>
      %swap3A_581 = arith.constant 0 : index
      %swap3A_582 = arith.constant 0 : index
      %swap3A_583 = arith.constant 5 : index
      %swap3A_584 = arith.constant 0 : index
      %swap3A_585 = vector.load %arg14[%swap3A_581, %swap3A_582, %swap3A_583, %swap3A_584] : memref<1x256x8x128xf32, #tpu.memory_space<vmem>>, vector<1x256x1x128xf32>
      %swap3A_586 = vector.shape_cast %swap3A_585 : vector<1x256x1x128xf32> to vector<256x128xf32>
      %swap3A_587 = vector.shape_cast %div3A_580 : vector<256x128xf32> to vector<1x256x1x128xf32>
      tpu.vector_store %arg14[%swap3A_581, %swap3A_582, %swap3A_583, %swap3A_584], %swap3A_587 {strides = array<i32>} : memref<1x256x8x128xf32, #tpu.memory_space<vmem>>, vector<1x256x1x128xf32>,
      %get3A_588 = arith.constant 0 : index
      %get3A_589 = arith.constant 0 : index
      %get3A_590 = vector.load %arg12[%get3A_588, %get3A_589] : memref<128x10xf32, #tpu.memory_space<vmem>>, vector<128x10xf32>
      %dot_general3A_591 = arith.constant dense<0.000000e+00> : vector<256x10xf32>
      %dot_general3A_592 = tpu.matmul %div3A_580, %get3A_590, %dot_general3A_591 {dimension_numbers = #tpu.dot_dimension_numbers<[1], [0], [0], [1], [0, 0, 1, 1], [], []>, transpose_lhs_hint = false} : vector<256x128xf32>, vector<128x10xf32>, vector<256x10xf32> -> vector<256x10xf32>
      %get3A_593 = arith.constant 0 : index
      %get3A_594 = arith.constant 0 : index
      %get3A_595 = vector.load %arg13[%get3A_593, %get3A_594] : memref<1x10xf32, #tpu.memory_space<vmem>>, vector<1x10xf32>
      %get3A_596 = vector.shape_cast %get3A_595 : vector<1x10xf32> to vector<10xf32>
      %broadcast_in_dim3A_597 = vector.shape_cast %get3A_596 : vector<10xf32> to vector<1x10xf32>
      %add3A_598 = vector.broadcast %broadcast_in_dim3A_597 : vector<1x10xf32> to vector<256x10xf32>
      %add3A_599 = arith.addf %dot_general3A_592, %add3A_598 : vector<256x10xf32>
      %slice3A_600 = vector.extract_strided_slice %add3A_599 {offsets = [0, 0], sizes = [256, 1], strides = [1, 1]} : vector<256x10xf32> to vector<256x1xf32>
      %broadcast_in_dim3A_601 = arith.constant 0 : i32
      %broadcast_in_dim3A_602 = vector.broadcast %broadcast_in_dim3A_601 : i32 to vector<256x1xi32>
      %slice3A_603 = vector.extract_strided_slice %add3A_599 {offsets = [0, 1], sizes = [256, 1], strides = [1, 1]} : vector<256x10xf32> to vector<256x1xf32>
      %gt3A_604 = arith.cmpf ogt, %slice3A_603, %slice3A_600 : vector<256x1xf32>
      %select_n3A_605 = arith.select %gt3A_604, %slice3A_603, %slice3A_600 : vector<256x1xi1>, vector<256x1xf32>
      %jit3A_606 = arith.constant 1 : i32
      %broadcast_in_dim3A_607 = vector.broadcast %jit3A_606 : i32 to vector<256x1xi32>
      %select_n3A_608 = arith.select %gt3A_604, %broadcast_in_dim3A_607, %broadcast_in_dim3A_602 : vector<256x1xi1>, vector<256x1xi32>
      %slice3A_609 = vector.extract_strided_slice %add3A_599 {offsets = [0, 2], sizes = [256, 1], strides = [1, 1]} : vector<256x10xf32> to vector<256x1xf32>
      %gt3A_610 = arith.cmpf ogt, %slice3A_609, %select_n3A_605 : vector<256x1xf32>
      %select_n3A_611 = arith.select %gt3A_610, %slice3A_609, %select_n3A_605 : vector<256x1xi1>, vector<256x1xf32>
      %jit3A_612 = arith.constant 2 : i32
      %broadcast_in_dim3A_613 = vector.broadcast %jit3A_612 : i32 to vector<256x1xi32>
      %select_n3A_614 = arith.select %gt3A_610, %broadcast_in_dim3A_613, %select_n3A_608 : vector<256x1xi1>, vector<256x1xi32>
      %slice3A_615 = vector.extract_strided_slice %add3A_599 {offsets = [0, 3], sizes = [256, 1], strides = [1, 1]} : vector<256x10xf32> to vector<256x1xf32>
      %gt3A_616 = arith.cmpf ogt, %slice3A_615, %select_n3A_611 : vector<256x1xf32>
      %select_n3A_617 = arith.select %gt3A_616, %slice3A_615, %select_n3A_611 : vector<256x1xi1>, vector<256x1xf32>
      %jit3A_618 = arith.constant 3 : i32
      %broadcast_in_dim3A_619 = vector.broadcast %jit3A_618 : i32 to vector<256x1xi32>
      %select_n3A_620 = arith.select %gt3A_616, %broadcast_in_dim3A_619, %select_n3A_614 : vector<256x1xi1>, vector<256x1xi32>
      %slice3A_621 = vector.extract_strided_slice %add3A_599 {offsets = [0, 4], sizes = [256, 1], strides = [1, 1]} : vector<256x10xf32> to vector<256x1xf32>
      %gt3A_622 = arith.cmpf ogt, %slice3A_621, %select_n3A_617 : vector<256x1xf32>
      %select_n3A_623 = arith.select %gt3A_622, %slice3A_621, %select_n3A_617 : vector<256x1xi1>, vector<256x1xf32>
      %jit3A_624 = arith.constant 4 : i32
      %broadcast_in_dim3A_625 = vector.broadcast %jit3A_624 : i32 to vector<256x1xi32>
      %select_n3A_626 = arith.select %gt3A_622, %broadcast_in_dim3A_625, %select_n3A_620 : vector<256x1xi1>, vector<256x1xi32>
      %slice3A_627 = vector.extract_strided_slice %add3A_599 {offsets = [0, 5], sizes = [256, 1], strides = [1, 1]} : vector<256x10xf32> to vector<256x1xf32>
      %gt3A_628 = arith.cmpf ogt, %slice3A_627, %select_n3A_623 : vector<256x1xf32>
      %select_n3A_629 = arith.select %gt3A_628, %slice3A_627, %select_n3A_623 : vector<256x1xi1>, vector<256x1xf32>
      %jit3A_630 = arith.constant 5 : i32
      %broadcast_in_dim3A_631 = vector.broadcast %jit3A_630 : i32 to vector<256x1xi32>
      %select_n3A_632 = arith.select %gt3A_628, %broadcast_in_dim3A_631, %select_n3A_626 : vector<256x1xi1>, vector<256x1xi32>
      %slice3A_633 = vector.extract_strided_slice %add3A_599 {offsets = [0, 6], sizes = [256, 1], strides = [1, 1]} : vector<256x10xf32> to vector<256x1xf32>
      %gt3A_634 = arith.cmpf ogt, %slice3A_633, %select_n3A_629 : vector<256x1xf32>
      %select_n3A_635 = arith.select %gt3A_634, %slice3A_633, %select_n3A_629 : vector<256x1xi1>, vector<256x1xf32>
      %jit3A_636 = arith.constant 6 : i32
      %broadcast_in_dim3A_637 = vector.broadcast %jit3A_636 : i32 to vector<256x1xi32>
      %select_n3A_638 = arith.select %gt3A_634, %broadcast_in_dim3A_637, %select_n3A_632 : vector<256x1xi1>, vector<256x1xi32>
      %slice3A_639 = vector.extract_strided_slice %add3A_599 {offsets = [0, 7], sizes = [256, 1], strides = [1, 1]} : vector<256x10xf32> to vector<256x1xf32>
      %gt3A_640 = arith.cmpf ogt, %slice3A_639, %select_n3A_635 : vector<256x1xf32>
      %select_n3A_641 = arith.select %gt3A_640, %slice3A_639, %select_n3A_635 : vector<256x1xi1>, vector<256x1xf32>
      %jit3A_642 = arith.constant 7 : i32
      %broadcast_in_dim3A_643 = vector.broadcast %jit3A_642 : i32 to vector<256x1xi32>
      %select_n3A_644 = arith.select %gt3A_640, %broadcast_in_dim3A_643, %select_n3A_638 : vector<256x1xi1>, vector<256x1xi32>
      %slice3A_645 = vector.extract_strided_slice %add3A_599 {offsets = [0, 8], sizes = [256, 1], strides = [1, 1]} : vector<256x10xf32> to vector<256x1xf32>
      %gt3A_646 = arith.cmpf ogt, %slice3A_645, %select_n3A_641 : vector<256x1xf32>
      %select_n3A_647 = arith.select %gt3A_646, %slice3A_645, %select_n3A_641 : vector<256x1xi1>, vector<256x1xf32>
      %jit3A_648 = arith.constant 8 : i32
      %broadcast_in_dim3A_649 = vector.broadcast %jit3A_648 : i32 to vector<256x1xi32>
      %select_n3A_650 = arith.select %gt3A_646, %broadcast_in_dim3A_649, %select_n3A_644 : vector<256x1xi1>, vector<256x1xi32>
      %slice3A_651 = vector.extract_strided_slice %add3A_599 {offsets = [0, 9], sizes = [256, 1], strides = [1, 1]} : vector<256x10xf32> to vector<256x1xf32>
      %gt3A_652 = arith.cmpf ogt, %slice3A_651, %select_n3A_647 : vector<256x1xf32>
      %jit3A_653 = arith.constant 9 : i32
      %broadcast_in_dim3A_654 = vector.broadcast %jit3A_653 : i32 to vector<256x1xi32>
      %select_n3A_655 = arith.select %gt3A_652, %broadcast_in_dim3A_654, %select_n3A_650 : vector<256x1xi1>, vector<256x1xi32>
      %slice3A_656 = vector.extract_strided_slice %get3A_122 {offsets = [6, 0], sizes = [250, 128], strides = [1, 1]} : vector<256x128xf32> to vector<250x128xf32>
      %slice3A_657 = vector.extract_strided_slice %mul3A_128 {offsets = [0, 0], sizes = [6, 128], strides = [1, 1]} : vector<8x128xf32> to vector<6x128xf32>
      %concatenate3A_658 = tpu.concatenate %slice3A_656, %slice3A_657 in 0 : vector<250x128xf32>, vector<6x128xf32> -> vector<256x128xf32>
      %add3A_659 = arith.addf %add3A_571, %concatenate3A_658 : vector<256x128xf32>
      %sub3A_660 = arith.constant 2048 : i32
      %sub3A_661 = vector.broadcast %sub3A_660 : i32 to vector<256x1xi32>
      %sub3A_662 = arith.subi %sub3A_661, %add3A_134 : vector<256x1xi32>
      %min3A_663 = arith.constant 7 : i32
      %min3A_664 = vector.broadcast %min3A_663 : i32 to vector<256x1xi32>
      %min3A_665 = arith.minsi %min3A_664, %sub3A_662 : vector<256x1xi32>
      %convert_element_type3A_666 = arith.sitofp %min3A_665 : vector<256x1xi32> to vector<256x1xf32>
      %div3A_667 = vector.broadcast %convert_element_type3A_666 : vector<256x1xf32> to vector<256x128xf32>
      %div3A_668 = arith.divf %add3A_659, %div3A_667 : vector<256x128xf32>
      %swap3A_669 = arith.constant 0 : index
      %swap3A_670 = arith.constant 0 : index
      %swap3A_671 = arith.constant 6 : index
      %swap3A_672 = arith.constant 0 : index
      %swap3A_673 = vector.load %arg14[%swap3A_669, %swap3A_670, %swap3A_671, %swap3A_672] : memref<1x256x8x128xf32, #tpu.memory_space<vmem>>, vector<1x256x1x128xf32>
      %swap3A_674 = vector.shape_cast %swap3A_673 : vector<1x256x1x128xf32> to vector<256x128xf32>
      %swap3A_675 = vector.shape_cast %div3A_668 : vector<256x128xf32> to vector<1x256x1x128xf32>
      tpu.vector_store %arg14[%swap3A_669, %swap3A_670, %swap3A_671, %swap3A_672], %swap3A_675 {strides = array<i32>} : memref<1x256x8x128xf32, #tpu.memory_space<vmem>>, vector<1x256x1x128xf32>,
      %get3A_676 = arith.constant 0 : index
      %get3A_677 = arith.constant 0 : index
      %get3A_678 = vector.load %arg12[%get3A_676, %get3A_677] : memref<128x10xf32, #tpu.memory_space<vmem>>, vector<128x10xf32>
      %dot_general3A_679 = arith.constant dense<0.000000e+00> : vector<256x10xf32>
      %dot_general3A_680 = tpu.matmul %div3A_668, %get3A_678, %dot_general3A_679 {dimension_numbers = #tpu.dot_dimension_numbers<[1], [0], [0], [1], [0, 0, 1, 1], [], []>, transpose_lhs_hint = false} : vector<256x128xf32>, vector<128x10xf32>, vector<256x10xf32> -> vector<256x10xf32>
      %get3A_681 = arith.constant 0 : index
      %get3A_682 = arith.constant 0 : index
      %get3A_683 = vector.load %arg13[%get3A_681, %get3A_682] : memref<1x10xf32, #tpu.memory_space<vmem>>, vector<1x10xf32>
      %get3A_684 = vector.shape_cast %get3A_683 : vector<1x10xf32> to vector<10xf32>
      %broadcast_in_dim3A_685 = vector.shape_cast %get3A_684 : vector<10xf32> to vector<1x10xf32>
      %add3A_686 = vector.broadcast %broadcast_in_dim3A_685 : vector<1x10xf32> to vector<256x10xf32>
      %add3A_687 = arith.addf %dot_general3A_680, %add3A_686 : vector<256x10xf32>
      %slice3A_688 = vector.extract_strided_slice %add3A_687 {offsets = [0, 0], sizes = [256, 1], strides = [1, 1]} : vector<256x10xf32> to vector<256x1xf32>
      %broadcast_in_dim3A_689 = arith.constant 0 : i32
      %broadcast_in_dim3A_690 = vector.broadcast %broadcast_in_dim3A_689 : i32 to vector<256x1xi32>
      %slice3A_691 = vector.extract_strided_slice %add3A_687 {offsets = [0, 1], sizes = [256, 1], strides = [1, 1]} : vector<256x10xf32> to vector<256x1xf32>
      %gt3A_692 = arith.cmpf ogt, %slice3A_691, %slice3A_688 : vector<256x1xf32>
      %select_n3A_693 = arith.select %gt3A_692, %slice3A_691, %slice3A_688 : vector<256x1xi1>, vector<256x1xf32>
      %jit3A_694 = arith.constant 1 : i32
      %broadcast_in_dim3A_695 = vector.broadcast %jit3A_694 : i32 to vector<256x1xi32>
      %select_n3A_696 = arith.select %gt3A_692, %broadcast_in_dim3A_695, %broadcast_in_dim3A_690 : vector<256x1xi1>, vector<256x1xi32>
      %slice3A_697 = vector.extract_strided_slice %add3A_687 {offsets = [0, 2], sizes = [256, 1], strides = [1, 1]} : vector<256x10xf32> to vector<256x1xf32>
      %gt3A_698 = arith.cmpf ogt, %slice3A_697, %select_n3A_693 : vector<256x1xf32>
      %select_n3A_699 = arith.select %gt3A_698, %slice3A_697, %select_n3A_693 : vector<256x1xi1>, vector<256x1xf32>
      %jit3A_700 = arith.constant 2 : i32
      %broadcast_in_dim3A_701 = vector.broadcast %jit3A_700 : i32 to vector<256x1xi32>
      %select_n3A_702 = arith.select %gt3A_698, %broadcast_in_dim3A_701, %select_n3A_696 : vector<256x1xi1>, vector<256x1xi32>
      %slice3A_703 = vector.extract_strided_slice %add3A_687 {offsets = [0, 3], sizes = [256, 1], strides = [1, 1]} : vector<256x10xf32> to vector<256x1xf32>
      %gt3A_704 = arith.cmpf ogt, %slice3A_703, %select_n3A_699 : vector<256x1xf32>
      %select_n3A_705 = arith.select %gt3A_704, %slice3A_703, %select_n3A_699 : vector<256x1xi1>, vector<256x1xf32>
      %jit3A_706 = arith.constant 3 : i32
      %broadcast_in_dim3A_707 = vector.broadcast %jit3A_706 : i32 to vector<256x1xi32>
      %select_n3A_708 = arith.select %gt3A_704, %broadcast_in_dim3A_707, %select_n3A_702 : vector<256x1xi1>, vector<256x1xi32>
      %slice3A_709 = vector.extract_strided_slice %add3A_687 {offsets = [0, 4], sizes = [256, 1], strides = [1, 1]} : vector<256x10xf32> to vector<256x1xf32>
      %gt3A_710 = arith.cmpf ogt, %slice3A_709, %select_n3A_705 : vector<256x1xf32>
      %select_n3A_711 = arith.select %gt3A_710, %slice3A_709, %select_n3A_705 : vector<256x1xi1>, vector<256x1xf32>
      %jit3A_712 = arith.constant 4 : i32
      %broadcast_in_dim3A_713 = vector.broadcast %jit3A_712 : i32 to vector<256x1xi32>
      %select_n3A_714 = arith.select %gt3A_710, %broadcast_in_dim3A_713, %select_n3A_708 : vector<256x1xi1>, vector<256x1xi32>
      %slice3A_715 = vector.extract_strided_slice %add3A_687 {offsets = [0, 5], sizes = [256, 1], strides = [1, 1]} : vector<256x10xf32> to vector<256x1xf32>
      %gt3A_716 = arith.cmpf ogt, %slice3A_715, %select_n3A_711 : vector<256x1xf32>
      %select_n3A_717 = arith.select %gt3A_716, %slice3A_715, %select_n3A_711 : vector<256x1xi1>, vector<256x1xf32>
      %jit3A_718 = arith.constant 5 : i32
      %broadcast_in_dim3A_719 = vector.broadcast %jit3A_718 : i32 to vector<256x1xi32>
      %select_n3A_720 = arith.select %gt3A_716, %broadcast_in_dim3A_719, %select_n3A_714 : vector<256x1xi1>, vector<256x1xi32>
      %slice3A_721 = vector.extract_strided_slice %add3A_687 {offsets = [0, 6], sizes = [256, 1], strides = [1, 1]} : vector<256x10xf32> to vector<256x1xf32>
      %gt3A_722 = arith.cmpf ogt, %slice3A_721, %select_n3A_717 : vector<256x1xf32>
      %select_n3A_723 = arith.select %gt3A_722, %slice3A_721, %select_n3A_717 : vector<256x1xi1>, vector<256x1xf32>
      %jit3A_724 = arith.constant 6 : i32
      %broadcast_in_dim3A_725 = vector.broadcast %jit3A_724 : i32 to vector<256x1xi32>
      %select_n3A_726 = arith.select %gt3A_722, %broadcast_in_dim3A_725, %select_n3A_720 : vector<256x1xi1>, vector<256x1xi32>
      %slice3A_727 = vector.extract_strided_slice %add3A_687 {offsets = [0, 7], sizes = [256, 1], strides = [1, 1]} : vector<256x10xf32> to vector<256x1xf32>
      %gt3A_728 = arith.cmpf ogt, %slice3A_727, %select_n3A_723 : vector<256x1xf32>
      %select_n3A_729 = arith.select %gt3A_728, %slice3A_727, %select_n3A_723 : vector<256x1xi1>, vector<256x1xf32>
      %jit3A_730 = arith.constant 7 : i32
      %broadcast_in_dim3A_731 = vector.broadcast %jit3A_730 : i32 to vector<256x1xi32>
      %select_n3A_732 = arith.select %gt3A_728, %broadcast_in_dim3A_731, %select_n3A_726 : vector<256x1xi1>, vector<256x1xi32>
      %slice3A_733 = vector.extract_strided_slice %add3A_687 {offsets = [0, 8], sizes = [256, 1], strides = [1, 1]} : vector<256x10xf32> to vector<256x1xf32>
      %gt3A_734 = arith.cmpf ogt, %slice3A_733, %select_n3A_729 : vector<256x1xf32>
      %select_n3A_735 = arith.select %gt3A_734, %slice3A_733, %select_n3A_729 : vector<256x1xi1>, vector<256x1xf32>
      %jit3A_736 = arith.constant 8 : i32
      %broadcast_in_dim3A_737 = vector.broadcast %jit3A_736 : i32 to vector<256x1xi32>
      %select_n3A_738 = arith.select %gt3A_734, %broadcast_in_dim3A_737, %select_n3A_732 : vector<256x1xi1>, vector<256x1xi32>
      %slice3A_739 = vector.extract_strided_slice %add3A_687 {offsets = [0, 9], sizes = [256, 1], strides = [1, 1]} : vector<256x10xf32> to vector<256x1xf32>
      %gt3A_740 = arith.cmpf ogt, %slice3A_739, %select_n3A_735 : vector<256x1xf32>
      %jit3A_741 = arith.constant 9 : i32
      %broadcast_in_dim3A_742 = vector.broadcast %jit3A_741 : i32 to vector<256x1xi32>
      %select_n3A_743 = arith.select %gt3A_740, %broadcast_in_dim3A_742, %select_n3A_738 : vector<256x1xi1>, vector<256x1xi32>
      %slice3A_744 = vector.extract_strided_slice %get3A_122 {offsets = [7, 0], sizes = [249, 128], strides = [1, 1]} : vector<256x128xf32> to vector<249x128xf32>
      %slice3A_745 = vector.extract_strided_slice %mul3A_128 {offsets = [0, 0], sizes = [7, 128], strides = [1, 1]} : vector<8x128xf32> to vector<7x128xf32>
      %concatenate3A_746 = tpu.concatenate %slice3A_744, %slice3A_745 in 0 : vector<249x128xf32>, vector<7x128xf32> -> vector<256x128xf32>
      %add3A_747 = arith.addf %add3A_659, %concatenate3A_746 : vector<256x128xf32>
      %sub3A_748 = arith.constant 2048 : i32
      %sub3A_749 = vector.broadcast %sub3A_748 : i32 to vector<256x1xi32>
      %sub3A_750 = arith.subi %sub3A_749, %add3A_134 : vector<256x1xi32>
      %min3A_751 = arith.constant 8 : i32
      %min3A_752 = vector.broadcast %min3A_751 : i32 to vector<256x1xi32>
      %min3A_753 = arith.minsi %min3A_752, %sub3A_750 : vector<256x1xi32>
      %convert_element_type3A_754 = arith.sitofp %min3A_753 : vector<256x1xi32> to vector<256x1xf32>
      %div3A_755 = vector.broadcast %convert_element_type3A_754 : vector<256x1xf32> to vector<256x128xf32>
      %div3A_756 = arith.divf %add3A_747, %div3A_755 : vector<256x128xf32>
      %swap3A_757 = arith.constant 0 : index
      %swap3A_758 = arith.constant 0 : index
      %swap3A_759 = arith.constant 7 : index
      %swap3A_760 = arith.constant 0 : index
      %swap3A_761 = vector.load %arg14[%swap3A_757, %swap3A_758, %swap3A_759, %swap3A_760] : memref<1x256x8x128xf32, #tpu.memory_space<vmem>>, vector<1x256x1x128xf32>
      %swap3A_762 = vector.shape_cast %swap3A_761 : vector<1x256x1x128xf32> to vector<256x128xf32>
      %swap3A_763 = vector.shape_cast %div3A_756 : vector<256x128xf32> to vector<1x256x1x128xf32>
      tpu.vector_store %arg14[%swap3A_757, %swap3A_758, %swap3A_759, %swap3A_760], %swap3A_763 {strides = array<i32>} : memref<1x256x8x128xf32, #tpu.memory_space<vmem>>, vector<1x256x1x128xf32>,
      %get3A_764 = arith.constant 0 : index
      %get3A_765 = arith.constant 0 : index
      %get3A_766 = vector.load %arg12[%get3A_764, %get3A_765] : memref<128x10xf32, #tpu.memory_space<vmem>>, vector<128x10xf32>
      %dot_general3A_767 = arith.constant dense<0.000000e+00> : vector<256x10xf32>
      %dot_general3A_768 = tpu.matmul %div3A_756, %get3A_766, %dot_general3A_767 {dimension_numbers = #tpu.dot_dimension_numbers<[1], [0], [0], [1], [0, 0, 1, 1], [], []>, transpose_lhs_hint = false} : vector<256x128xf32>, vector<128x10xf32>, vector<256x10xf32> -> vector<256x10xf32>
      %get3A_769 = arith.constant 0 : index
      %get3A_770 = arith.constant 0 : index
      %get3A_771 = vector.load %arg13[%get3A_769, %get3A_770] : memref<1x10xf32, #tpu.memory_space<vmem>>, vector<1x10xf32>
      %get3A_772 = vector.shape_cast %get3A_771 : vector<1x10xf32> to vector<10xf32>
      %broadcast_in_dim3A_773 = vector.shape_cast %get3A_772 : vector<10xf32> to vector<1x10xf32>
      %add3A_774 = vector.broadcast %broadcast_in_dim3A_773 : vector<1x10xf32> to vector<256x10xf32>
      %add3A_775 = arith.addf %dot_general3A_768, %add3A_774 : vector<256x10xf32>
      %slice3A_776 = vector.extract_strided_slice %add3A_775 {offsets = [0, 0], sizes = [256, 1], strides = [1, 1]} : vector<256x10xf32> to vector<256x1xf32>
      %broadcast_in_dim3A_777 = arith.constant 0 : i32
      %broadcast_in_dim3A_778 = vector.broadcast %broadcast_in_dim3A_777 : i32 to vector<256x1xi32>
      %slice3A_779 = vector.extract_strided_slice %add3A_775 {offsets = [0, 1], sizes = [256, 1], strides = [1, 1]} : vector<256x10xf32> to vector<256x1xf32>
      %gt3A_780 = arith.cmpf ogt, %slice3A_779, %slice3A_776 : vector<256x1xf32>
      %select_n3A_781 = arith.select %gt3A_780, %slice3A_779, %slice3A_776 : vector<256x1xi1>, vector<256x1xf32>
      %jit3A_782 = arith.constant 1 : i32
      %broadcast_in_dim3A_783 = vector.broadcast %jit3A_782 : i32 to vector<256x1xi32>
      %select_n3A_784 = arith.select %gt3A_780, %broadcast_in_dim3A_783, %broadcast_in_dim3A_778 : vector<256x1xi1>, vector<256x1xi32>
      %slice3A_785 = vector.extract_strided_slice %add3A_775 {offsets = [0, 2], sizes = [256, 1], strides = [1, 1]} : vector<256x10xf32> to vector<256x1xf32>
      %gt3A_786 = arith.cmpf ogt, %slice3A_785, %select_n3A_781 : vector<256x1xf32>
      %select_n3A_787 = arith.select %gt3A_786, %slice3A_785, %select_n3A_781 : vector<256x1xi1>, vector<256x1xf32>
      %jit3A_788 = arith.constant 2 : i32
      %broadcast_in_dim3A_789 = vector.broadcast %jit3A_788 : i32 to vector<256x1xi32>
      %select_n3A_790 = arith.select %gt3A_786, %broadcast_in_dim3A_789, %select_n3A_784 : vector<256x1xi1>, vector<256x1xi32>
      %slice3A_791 = vector.extract_strided_slice %add3A_775 {offsets = [0, 3], sizes = [256, 1], strides = [1, 1]} : vector<256x10xf32> to vector<256x1xf32>
      %gt3A_792 = arith.cmpf ogt, %slice3A_791, %select_n3A_787 : vector<256x1xf32>
      %select_n3A_793 = arith.select %gt3A_792, %slice3A_791, %select_n3A_787 : vector<256x1xi1>, vector<256x1xf32>
      %jit3A_794 = arith.constant 3 : i32
      %broadcast_in_dim3A_795 = vector.broadcast %jit3A_794 : i32 to vector<256x1xi32>
      %select_n3A_796 = arith.select %gt3A_792, %broadcast_in_dim3A_795, %select_n3A_790 : vector<256x1xi1>, vector<256x1xi32>
      %slice3A_797 = vector.extract_strided_slice %add3A_775 {offsets = [0, 4], sizes = [256, 1], strides = [1, 1]} : vector<256x10xf32> to vector<256x1xf32>
      %gt3A_798 = arith.cmpf ogt, %slice3A_797, %select_n3A_793 : vector<256x1xf32>
      %select_n3A_799 = arith.select %gt3A_798, %slice3A_797, %select_n3A_793 : vector<256x1xi1>, vector<256x1xf32>
      %jit3A_800 = arith.constant 4 : i32
      %broadcast_in_dim3A_801 = vector.broadcast %jit3A_800 : i32 to vector<256x1xi32>
      %select_n3A_802 = arith.select %gt3A_798, %broadcast_in_dim3A_801, %select_n3A_796 : vector<256x1xi1>, vector<256x1xi32>
      %slice3A_803 = vector.extract_strided_slice %add3A_775 {offsets = [0, 5], sizes = [256, 1], strides = [1, 1]} : vector<256x10xf32> to vector<256x1xf32>
      %gt3A_804 = arith.cmpf ogt, %slice3A_803, %select_n3A_799 : vector<256x1xf32>
      %select_n3A_805 = arith.select %gt3A_804, %slice3A_803, %select_n3A_799 : vector<256x1xi1>, vector<256x1xf32>
      %jit3A_806 = arith.constant 5 : i32
      %broadcast_in_dim3A_807 = vector.broadcast %jit3A_806 : i32 to vector<256x1xi32>
      %select_n3A_808 = arith.select %gt3A_804, %broadcast_in_dim3A_807, %select_n3A_802 : vector<256x1xi1>, vector<256x1xi32>
      %slice3A_809 = vector.extract_strided_slice %add3A_775 {offsets = [0, 6], sizes = [256, 1], strides = [1, 1]} : vector<256x10xf32> to vector<256x1xf32>
      %gt3A_810 = arith.cmpf ogt, %slice3A_809, %select_n3A_805 : vector<256x1xf32>
      %select_n3A_811 = arith.select %gt3A_810, %slice3A_809, %select_n3A_805 : vector<256x1xi1>, vector<256x1xf32>
      %jit3A_812 = arith.constant 6 : i32
      %broadcast_in_dim3A_813 = vector.broadcast %jit3A_812 : i32 to vector<256x1xi32>
      %select_n3A_814 = arith.select %gt3A_810, %broadcast_in_dim3A_813, %select_n3A_808 : vector<256x1xi1>, vector<256x1xi32>
      %slice3A_815 = vector.extract_strided_slice %add3A_775 {offsets = [0, 7], sizes = [256, 1], strides = [1, 1]} : vector<256x10xf32> to vector<256x1xf32>
      %gt3A_816 = arith.cmpf ogt, %slice3A_815, %select_n3A_811 : vector<256x1xf32>
      %select_n3A_817 = arith.select %gt3A_816, %slice3A_815, %select_n3A_811 : vector<256x1xi1>, vector<256x1xf32>
      %jit3A_818 = arith.constant 7 : i32
      %broadcast_in_dim3A_819 = vector.broadcast %jit3A_818 : i32 to vector<256x1xi32>
      %select_n3A_820 = arith.select %gt3A_816, %broadcast_in_dim3A_819, %select_n3A_814 : vector<256x1xi1>, vector<256x1xi32>
      %slice3A_821 = vector.extract_strided_slice %add3A_775 {offsets = [0, 8], sizes = [256, 1], strides = [1, 1]} : vector<256x10xf32> to vector<256x1xf32>
      %gt3A_822 = arith.cmpf ogt, %slice3A_821, %select_n3A_817 : vector<256x1xf32>
      %select_n3A_823 = arith.select %gt3A_822, %slice3A_821, %select_n3A_817 : vector<256x1xi1>, vector<256x1xf32>
      %jit3A_824 = arith.constant 8 : i32
      %broadcast_in_dim3A_825 = vector.broadcast %jit3A_824 : i32 to vector<256x1xi32>
      %select_n3A_826 = arith.select %gt3A_822, %broadcast_in_dim3A_825, %select_n3A_820 : vector<256x1xi1>, vector<256x1xi32>
      %slice3A_827 = vector.extract_strided_slice %add3A_775 {offsets = [0, 9], sizes = [256, 1], strides = [1, 1]} : vector<256x10xf32> to vector<256x1xf32>
      %gt3A_828 = arith.cmpf ogt, %slice3A_827, %select_n3A_823 : vector<256x1xf32>
      %jit3A_829 = arith.constant 9 : i32
      %broadcast_in_dim3A_830 = vector.broadcast %jit3A_829 : i32 to vector<256x1xi32>
      %select_n3A_831 = arith.select %gt3A_828, %broadcast_in_dim3A_830, %select_n3A_826 : vector<256x1xi1>, vector<256x1xi32>
      %concatenate3A_832 = tpu.concatenate %select_n3A_216, %select_n3A_303, %select_n3A_391, %select_n3A_479, %select_n3A_567, %select_n3A_655, %select_n3A_743, %select_n3A_831 in 1 : vector<256x1xi32>, vector<256x1xi32>, vector<256x1xi32>, vector<256x1xi32>, vector<256x1xi32>, vector<256x1xi32>, vector<256x1xi32>, vector<256x1xi32> -> vector<256x8xi32>
      %swap3A_833 = arith.constant 0 : index
      %swap3A_834 = arith.constant 0 : index
      %swap3A_835 = arith.constant 0 : index
      %swap3A_836 = vector.load %arg18[%swap3A_833, %swap3A_834, %swap3A_835] : memref<1x256x8xi32, #tpu.memory_space<vmem>>, vector<1x256x8xi32>
      %swap3A_837 = vector.shape_cast %swap3A_836 : vector<1x256x8xi32> to vector<256x8xi32>
      %swap3A_838 = vector.shape_cast %concatenate3A_832 : vector<256x8xi32> to vector<1x256x8xi32>
      tpu.vector_store %arg18[%swap3A_833, %swap3A_834, %swap3A_835], %swap3A_838 {strides = array<i32>} : memref<1x256x8xi32, #tpu.memory_space<vmem>>, vector<1x256x8xi32>,
    } else {
    }
    %swap3A_109 = arith.constant 0 : index
    %swap3A_110 = arith.constant 0 : index
    %swap3A_111 = vector.load %arg20[%swap3A_109, %swap3A_110] : memref<256x128xf32, #tpu.memory_space<vmem>>, vector<256x128xf32>
    tpu.vector_store %arg20[%swap3A_109, %swap3A_110], %add3A_36 {strides = array<i32>} : memref<256x128xf32, #tpu.memory_space<vmem>>, vector<256x128xf32>,
    %eq3A_112 = arith.constant 3 : i32
    %eq3A_113 = arith.cmpi eq, %arg0, %eq3A_112 : i32
    %eq3A_114 = arith.constant 8 : i32
    %eq3A_115 = arith.cmpi eq, %arg1, %eq3A_114 : i32
    %and3A_116 = arith.andi %eq3A_113, %eq3A_115 : i1
    %convert_element_type3A_117 = arith.extui %and3A_116 : i1 to i32
    %cond3A_118 = arith.constant 0 : i32
    %cond3A_119 = arith.cmpi ne, %convert_element_type3A_117, %cond3A_118 : i32
    scf.if %cond3A_119 {
      %get3A_120 = arith.constant 0 : index
      %get3A_121 = memref.load %arg21[%get3A_120] : memref<2xf32, #tpu.memory_space<smem>>
      %get3A_122 = arith.constant 1 : index
      %get3A_123 = memref.load %arg21[%get3A_122] : memref<2xf32, #tpu.memory_space<smem>>
      %add3A_124 = arith.constant 9.99999997E-7 : f32
      %add3A_125 = arith.addf %get3A_123, %add3A_124 : f32
      %div3A = arith.divf %get3A_121, %add3A_125 : f32
      %reshape3A = vector.broadcast %div3A : f32 to vector<1x1xf32>
      %swap3A_126 = arith.constant 0 : index
      %swap3A_127 = arith.constant 0 : index
      %swap3A_128 = vector.load %arg19[%swap3A_126, %swap3A_127] : memref<1x1xf32, #tpu.memory_space<vmem>>, vector<1x1xf32>
      tpu.vector_store %arg19[%swap3A_126, %swap3A_127], %reshape3A {strides = array<i32>} : memref<1x1xf32, #tpu.memory_space<vmem>>, vector<1x1xf32>,
    } else {
    }
    return
  }
  func.func @transform_0(%arg0: i32, %arg1: i32) -> (i32, i32, i32) {
    %min3A = arith.constant 7 : i32
    %min3A_0 = arith.minsi %arg1, %min3A : i32
    %c0_i32 = arith.constant 0 : i32
    %c0_i32_1 = arith.constant 0 : i32
    return %arg0, %min3A_0, %c0_i32 : i32, i32, i32
  }
  func.func @transform_1(%arg0: i32, %arg1: i32) -> (i32, i32, i32) {
    %min3A = arith.constant 7 : i32
    %min3A_0 = arith.minsi %arg1, %min3A : i32
    %c0_i32 = arith.constant 0 : i32
    %c0_i32_1 = arith.constant 0 : i32
    return %arg0, %min3A_0, %c0_i32 : i32, i32, i32
  }
  func.func @transform_2(%arg0: i32, %arg1: i32) -> (i32, i32, i32) {
    %min3A = arith.constant 7 : i32
    %min3A_0 = arith.minsi %arg1, %min3A : i32
    %c0_i32 = arith.constant 0 : i32
    %c0_i32_1 = arith.constant 0 : i32
    return %arg0, %min3A_0, %c0_i32 : i32, i32, i32
  }
  func.func @transform_3(%arg0: i32, %arg1: i32) -> (i32, i32) {
    %c0_i32 = arith.constant 0 : i32
    %c0_i32_0 = arith.constant 0 : i32
    %c0_i32_1 = arith.constant 0 : i32
    return %c0_i32, %c0_i32_0 : i32, i32
  }
  func.func @transform_4(%arg0: i32, %arg1: i32) -> (i32, i32) {
    %c0_i32 = arith.constant 0 : i32
    %c0_i32_0 = arith.constant 0 : i32
    %c0_i32_1 = arith.constant 0 : i32
    return %c0_i32, %c0_i32_0 : i32, i32
  }
  func.func @transform_5(%arg0: i32, %arg1: i32) -> (i32, i32) {
    %c0_i32 = arith.constant 0 : i32
    %c0_i32_0 = arith.constant 0 : i32
    %c0_i32_1 = arith.constant 0 : i32
    return %c0_i32, %c0_i32_0 : i32, i32
  }
  func.func @transform_6(%arg0: i32, %arg1: i32) -> (i32, i32) {
    %c0_i32 = arith.constant 0 : i32
    %c0_i32_0 = arith.constant 0 : i32
    %c0_i32_1 = arith.constant 0 : i32
    return %c0_i32, %c0_i32_0 : i32, i32
  }
  func.func @transform_7(%arg0: i32, %arg1: i32) -> (i32, i32) {
    %c0_i32 = arith.constant 0 : i32
    %c0_i32_0 = arith.constant 0 : i32
    %c0_i32_1 = arith.constant 0 : i32
    return %c0_i32, %c0_i32_0 : i32, i32
  }
  func.func @transform_8(%arg0: i32, %arg1: i32) -> (i32, i32) {
    %c0_i32 = arith.constant 0 : i32
    %c0_i32_0 = arith.constant 0 : i32
    %c0_i32_1 = arith.constant 0 : i32
    return %c0_i32, %c0_i32_0 : i32, i32
  }
  func.func @transform_9(%arg0: i32, %arg1: i32) -> (i32, i32) {
    %c0_i32 = arith.constant 0 : i32
    %c0_i32_0 = arith.constant 0 : i32
    %c0_i32_1 = arith.constant 0 : i32
    return %c0_i32, %c0_i32_0 : i32, i32
  }
  func.func @transform_10(%arg0: i32, %arg1: i32) -> (i32, i32) {
    %c0_i32 = arith.constant 0 : i32
    %c0_i32_0 = arith.constant 0 : i32
    %c0_i32_1 = arith.constant 0 : i32
    return %c0_i32, %c0_i32_0 : i32, i32
  }
  func.func @transform_11(%arg0: i32, %arg1: i32) -> (i32, i32) {
    %c0_i32 = arith.constant 0 : i32
    %c0_i32_0 = arith.constant 0 : i32
    %c0_i32_1 = arith.constant 0 : i32
    return %c0_i32, %c0_i32_0 : i32, i32
  }
  func.func @transform_12(%arg0: i32, %arg1: i32) -> (i32, i32, i32, i32) {
    %sub3A = arith.constant 1 : i32
    %sub3A_0 = arith.subi %arg1, %sub3A : i32
    %max3A = arith.constant 0 : i32
    %max3A_1 = arith.maxsi %sub3A_0, %max3A : i32
    %c0_i32 = arith.constant 0 : i32
    %c0_i32_2 = arith.constant 0 : i32
    %c0_i32_3 = arith.constant 0 : i32
    return %arg0, %max3A_1, %c0_i32, %c0_i32_2 : i32, i32, i32, i32
  }
  func.func @transform_13(%arg0: i32, %arg1: i32) -> (i32, i32, i32) {
    %min3A = arith.constant 7 : i32
    %min3A_0 = arith.minsi %arg1, %min3A : i32
    %c0_i32 = arith.constant 0 : i32
    %c0_i32_1 = arith.constant 0 : i32
    return %arg0, %min3A_0, %c0_i32 : i32, i32, i32
  }
  func.func @transform_14(%arg0: i32, %arg1: i32) -> (i32, i32, i32) {
    %min3A = arith.constant 7 : i32
    %min3A_0 = arith.minsi %arg1, %min3A : i32
    %c0_i32 = arith.constant 0 : i32
    %c0_i32_1 = arith.constant 0 : i32
    return %arg0, %min3A_0, %c0_i32 : i32, i32, i32
  }
  func.func @transform_15(%arg0: i32, %arg1: i32) -> (i32, i32, i32) {
    %min3A = arith.constant 7 : i32
    %min3A_0 = arith.minsi %arg1, %min3A : i32
    %c0_i32 = arith.constant 0 : i32
    %c0_i32_1 = arith.constant 0 : i32
    return %arg0, %min3A_0, %c0_i32 : i32, i32, i32
  }
  func.func @transform_16(%arg0: i32, %arg1: i32) -> (i32, i32, i32) {
    %sub3A = arith.constant 1 : i32
    %sub3A_0 = arith.subi %arg1, %sub3A : i32
    %max3A = arith.constant 0 : i32
    %max3A_1 = arith.maxsi %sub3A_0, %max3A : i32
    %c0_i32 = arith.constant 0 : i32
    %c0_i32_2 = arith.constant 0 : i32
    return %arg0, %max3A_1, %c0_i32 : i32, i32, i32
  }
  func.func @transform_17(%arg0: i32, %arg1: i32) -> (i32, i32) {
    %c0_i32 = arith.constant 0 : i32
    %c0_i32_0 = arith.constant 0 : i32
    %c0_i32_1 = arith.constant 0 : i32
    return %c0_i32, %c0_i32_0 : i32, i32
  }
}

module attributes {stable_mosaic.version = 14 : i64} {
  func.func @_loss2_body(%arg0: memref<2048x128xf32, #tpu.memory_space<vmem>>, %arg1: memref<128x10xf32, #tpu.memory_space<vmem>>, %arg2: memref<1x10xf32, #tpu.memory_space<vmem>>, %arg3: memref<2048x1xi32, #tpu.memory_space<vmem>>, %arg4: memref<1x10xf32, #tpu.memory_space<vmem>>, %arg5: memref<4x512xi32, #tpu.memory_space<vmem>>, %arg6: memref<2048x10xf32, #tpu.memory_space<vmem>>, %arg7: memref<1x1xf32, #tpu.memory_space<vmem>>, %arg8: memref<4x1xi32, #tpu.memory_space<vmem>>) attributes {dimension_semantics = [], scalar_prefetch = 0 : i64, scratch_operands = 0 : i64, tpu.core_type = #tpu.core_type<tc>} {
    %get3A = arith.constant 0 : index
    %get3A_0 = arith.constant 0 : index
    %get3A_1 = vector.load %arg0[%get3A, %get3A_0] : memref<2048x128xf32, #tpu.memory_space<vmem>>, vector<2048x128xf32>
    %get3A_2 = arith.constant 0 : index
    %get3A_3 = arith.constant 0 : index
    %get3A_4 = vector.load %arg1[%get3A_2, %get3A_3] : memref<128x10xf32, #tpu.memory_space<vmem>>, vector<128x10xf32>
    %dot_general3A = arith.constant dense<0.000000e+00> : vector<2048x10xf32>
    %dot_general3A_5 = tpu.matmul %get3A_1, %get3A_4, %dot_general3A {dimension_numbers = #tpu.dot_dimension_numbers<[1], [0], [0], [1], [0, 0, 1, 1], [], []>, transpose_lhs_hint = false} : vector<2048x128xf32>, vector<128x10xf32>, vector<2048x10xf32> -> vector<2048x10xf32>
    %get3A_6 = arith.constant 0 : index
    %get3A_7 = arith.constant 0 : index
    %get3A_8 = vector.load %arg2[%get3A_6, %get3A_7] : memref<1x10xf32, #tpu.memory_space<vmem>>, vector<1x10xf32>
    %get3A_9 = vector.shape_cast %get3A_8 : vector<1x10xf32> to vector<10xf32>
    %broadcast_in_dim3A = vector.shape_cast %get3A_9 : vector<10xf32> to vector<1x10xf32>
    %add3A = vector.broadcast %broadcast_in_dim3A : vector<1x10xf32> to vector<2048x10xf32>
    %add3A_10 = arith.addf %dot_general3A_5, %add3A : vector<2048x10xf32>
    %swap3A = arith.constant 0 : index
    %swap3A_11 = arith.constant 0 : index
    %swap3A_12 = vector.load %arg6[%swap3A, %swap3A_11] : memref<2048x10xf32, #tpu.memory_space<vmem>>, vector<2048x10xf32>
    tpu.vector_store %arg6[%swap3A, %swap3A_11], %add3A_10 {strides = array<i32>} : memref<2048x10xf32, #tpu.memory_space<vmem>>, vector<2048x10xf32>,
    %get3A_13 = arith.constant 0 : index
    %get3A_14 = arith.constant 0 : index
    %get3A_15 = vector.load %arg3[%get3A_13, %get3A_14] : memref<2048x1xi32, #tpu.memory_space<vmem>>, vector<2048x1xi32>
    %iota3A = tpu.iota {dimensions = array<i32: 1>} : vector<2048x10xi32>
    %eq3A = vector.broadcast %get3A_15 : vector<2048x1xi32> to vector<2048x10xi32>
    %eq3A_16 = arith.cmpi eq, %iota3A, %eq3A : vector<2048x10xi32>
    %jit3A = arith.constant 0.000000e+00 : f32
    %broadcast_in_dim3A_17 = vector.broadcast %jit3A : f32 to vector<2048x10xf32>
    %select_n3A = arith.select %eq3A_16, %add3A_10, %broadcast_in_dim3A_17 : vector<2048x10xi1>, vector<2048x10xf32>
    %reduce_sum3A = arith.constant dense<0.000000e+00> : vector<2048xf32>
    %reduce_sum3A_18 = vector.multi_reduction <add>, %select_n3A, %reduce_sum3A [1] : vector<2048x10xf32> to vector<2048xf32>
    %broadcast_in_dim3A_19 = vector.shape_cast %reduce_sum3A_18 : vector<2048xf32> to vector<2048x1xf32>
    %reduce_max3A = arith.constant dense<0xFF800000> : vector<2048xf32>
    %reduce_max3A_20 = vector.multi_reduction <maximumf>, %add3A_10, %reduce_max3A [1] : vector<2048x10xf32> to vector<2048xf32>
    %broadcast_in_dim3A_21 = vector.shape_cast %reduce_max3A_20 : vector<2048xf32> to vector<2048x1xf32>
    %sub3A = vector.broadcast %broadcast_in_dim3A_21 : vector<2048x1xf32> to vector<2048x10xf32>
    %sub3A_22 = arith.subf %add3A_10, %sub3A : vector<2048x10xf32>
    %exp3A = math.exp %sub3A_22 : vector<2048x10xf32>
    %reduce_sum3A_23 = arith.constant dense<0.000000e+00> : vector<2048xf32>
    %reduce_sum3A_24 = vector.multi_reduction <add>, %exp3A, %reduce_sum3A_23 [1] : vector<2048x10xf32> to vector<2048xf32>
    %broadcast_in_dim3A_25 = vector.shape_cast %reduce_sum3A_24 : vector<2048xf32> to vector<2048x1xf32>
    %log3A = math.log %broadcast_in_dim3A_25 : vector<2048x1xf32>
    %add3A_26 = arith.addf %broadcast_in_dim3A_21, %log3A : vector<2048x1xf32>
    %get3A_27 = arith.constant 0 : index
    %get3A_28 = arith.constant 0 : index
    %get3A_29 = vector.load %arg4[%get3A_27, %get3A_28] : memref<1x10xf32, #tpu.memory_space<vmem>>, vector<1x10xf32>
    %get3A_30 = vector.shape_cast %get3A_29 : vector<1x10xf32> to vector<10xf32>
    %broadcast_in_dim3A_31 = vector.shape_cast %get3A_30 : vector<10xf32> to vector<1x10xf32>
    %jit3A_32 = arith.constant 0.000000e+00 : f32
    %broadcast_in_dim3A_33 = vector.shape_cast %broadcast_in_dim3A_31 : vector<1x10xf32> to vector<1x10xf32>
    %broadcast_in_dim3A_34 = vector.broadcast %broadcast_in_dim3A_33 : vector<1x10xf32> to vector<2048x10xf32>
    %broadcast_in_dim3A_35 = vector.broadcast %jit3A_32 : f32 to vector<2048x10xf32>
    %select_n3A_36 = arith.select %eq3A_16, %broadcast_in_dim3A_34, %broadcast_in_dim3A_35 : vector<2048x10xi1>, vector<2048x10xf32>
    %reduce_sum3A_37 = arith.constant dense<0.000000e+00> : vector<2048xf32>
    %reduce_sum3A_38 = vector.multi_reduction <add>, %select_n3A_36, %reduce_sum3A_37 [1] : vector<2048x10xf32> to vector<2048xf32>
    %broadcast_in_dim3A_39 = vector.shape_cast %reduce_sum3A_38 : vector<2048xf32> to vector<2048x1xf32>
    %sub3A_40 = arith.subf %add3A_26, %broadcast_in_dim3A_19 : vector<2048x1xf32>
    %mul3A = arith.mulf %sub3A_40, %broadcast_in_dim3A_39 : vector<2048x1xf32>
    %reduce_sum3A_41 = vector.shape_cast %mul3A : vector<2048x1xf32> to vector<1x2048x1xf32>
    %reduce_sum3A_42 = arith.constant dense<0.000000e+00> : vector<1xf32>
    %reduce_sum3A_43 = vector.multi_reduction <add>, %reduce_sum3A_41, %reduce_sum3A_42 [1, 2] : vector<1x2048x1xf32> to vector<1xf32>
    %reduce_sum3A_44 = vector.shape_cast %reduce_sum3A_43 : vector<1xf32> to vector<1x1x1xf32>
    %reduce_sum3A_45 = vector.extract %reduce_sum3A_44[0, 0, 0] : f32 from vector<1x1x1xf32>
    %reduce_sum3A_46 = vector.shape_cast %broadcast_in_dim3A_39 : vector<2048x1xf32> to vector<1x2048x1xf32>
    %reduce_sum3A_47 = arith.constant dense<0.000000e+00> : vector<1xf32>
    %reduce_sum3A_48 = vector.multi_reduction <add>, %reduce_sum3A_46, %reduce_sum3A_47 [1, 2] : vector<1x2048x1xf32> to vector<1xf32>
    %reduce_sum3A_49 = vector.shape_cast %reduce_sum3A_48 : vector<1xf32> to vector<1x1x1xf32>
    %reduce_sum3A_50 = vector.extract %reduce_sum3A_49[0, 0, 0] : f32 from vector<1x1x1xf32>
    %add3A_51 = arith.constant 9.99999997E-7 : f32
    %add3A_52 = arith.addf %reduce_sum3A_50, %add3A_51 : f32
    %div3A = arith.divf %reduce_sum3A_45, %add3A_52 : f32
    %reshape3A = vector.broadcast %div3A : f32 to vector<1x1xf32>
    %swap3A_53 = arith.constant 0 : index
    %swap3A_54 = arith.constant 0 : index
    %swap3A_55 = vector.load %arg7[%swap3A_53, %swap3A_54] : memref<1x1xf32, #tpu.memory_space<vmem>>, vector<1x1xf32>
    tpu.vector_store %arg7[%swap3A_53, %swap3A_54], %reshape3A {strides = array<i32>} : memref<1x1xf32, #tpu.memory_space<vmem>>, vector<1x1xf32>,
    %get3A_56 = arith.constant 0 : index
    %get3A_57 = arith.constant 0 : index
    %get3A_58 = vector.load %arg5[%get3A_56, %get3A_57] : memref<4x512xi32, #tpu.memory_space<vmem>>, vector<4x512xi32>
    %ge3A = arith.constant 0 : i32
    %ge3A_59 = vector.broadcast %ge3A : i32 to vector<4x512xi32>
    %ge3A_60 = arith.cmpi sge, %get3A_58, %ge3A_59 : vector<4x512xi32>
    %convert_element_type3A = arith.extui %ge3A_60 : vector<4x512xi1> to vector<4x512xi32>
    %reduce_sum3A_61 = arith.constant dense<0> : vector<4xi32>
    %reduce_sum3A_62 = vector.multi_reduction <add>, %convert_element_type3A, %reduce_sum3A_61 [1] : vector<4x512xi32> to vector<4xi32>
    %broadcast_in_dim3A_63 = vector.shape_cast %reduce_sum3A_62 : vector<4xi32> to vector<4x1xi32>
    %swap3A_64 = arith.constant 0 : index
    %swap3A_65 = arith.constant 0 : index
    %swap3A_66 = vector.load %arg8[%swap3A_64, %swap3A_65] : memref<4x1xi32, #tpu.memory_space<vmem>>, vector<4x1xi32>
    tpu.vector_store %arg8[%swap3A_64, %swap3A_65], %broadcast_in_dim3A_63 {strides = array<i32>} : memref<4x1xi32, #tpu.memory_space<vmem>>, vector<4x1xi32>,
    return
  }
}

</mosaic_0001>

<sc_bundles>
// kernel: gather_offload_async_start.1
scs
__scs_entry_jumppad:
0x0: {  	(pc) =	sbr.rel $0x88, $3  }
0x1: {  	(tag) =	ssettag $0x0;
	lr =	simm.s32 $0x1  }
0x2: {  	[smem:$0x3F93] =	sst lr;
	_ =	strace $0xD0000000  }
0x3: {  	_ = 	snop  }
0x4: {  	_ = 	snop  }
0x5: {  	_ = 	snop  }
0x6: {  	_ = 	snop  }
0x7: {  	_ = 	snop  }
__scs_overlays_trampoline_lowered:
0x8: {  	[smem:$0x3FA2] =	sst s0  }
0x9: {  	[smem:$0x3FA3] =	sst s1  }
0xa: {  	[smem:$0x3FA4] =	sst s2  }
0xb: {  	[smem:$0x3FA5] =	sst s3  }
0xc: {  	[smem:$0x3FA6] =	sst s4  }
0xd: {  	[smem:$0x3FA7] =	sst s5  }
0xe: {  	[smem:$0x3FA8] =	sst s6  }
0xf: {  	[smem:$0x3FA9] =	sst s7  }
0x10: {  	[smem:$0x3FAA] =	sst s8  }
0x11: {  	[smem:$0x3FAB] =	sst s9;
	s0 =	simm.s32 @!p0 $0x0  }
0x12: {  	s1 =	sld [smem:$0x3F91];
	s0 =	simm.s32 @p0 $0x1  }
0x13: {  	[smem:$0x3FAC] =	sst s0;
	s0 =	simm.s32 @!p1 $0x0  }
0x14: {  	s2 =	sld [smem:$0x3F90];
	s0 =	simm.s32 @p1 $0x1  }
0x15: {  	[smem:$0x3FAD] =	sst s0;
	s0 =	simm.s32 @!p2 $0x0  }
0x16: {  	s3 =	sld [smem:$0x3FDB];
	s0 =	simm.s32 @p2 $0x1  }
0x17: {  	s4 =	simm.s32 $0x1BF5;
	[smem:$0x3FAF] =	sst s0  }
0x18: {  	s0 =	sld [smem:$0x3F92];
	_ =	swait.ge [sflag:s4], $0x0  }
0x19: {  	s7 =	sld [smem:$0x3F93]  }
0x1a: {  	s8 =	sadd.s32 $0xFFFFE003, lr  }
0x1b: {  	s9 =	sadd.s32 $0xFFFFFEF7, lr;
	s5 =	simm.s32 $0xFFFFFFFF;
	p2 =	slt.u32 s8, $0xFFFFF086  }
0x1c: {  	p1 =	slt.u32 s9, $0xF7A;
	s5 =	simm.s32 @!p2 $0x0  }
0x1d: {  	s5 =	simm.s32 @p1 $0x1;
	p0 =	seq.s32 s7, s2  }
0x1e: {  	s7 =	smul.u32 @!p0 $0xF7A, s2;
	p2 =	seq.s32 @!p0 s5, $0x0  }
0x1f: {  	s9 =	smul.u32 $0xF7A, s1;
	s8 =	simm.s32 @!p0 $0x1BF5;
	p2 =	por !p2, p0  }
0x20: {  	[sflag:s8] =	ssyncset.s32 @!p0 $0xFFFFF086;
	s6 =	sadd.s32 @!p0 s3, s7;
	s7 =	simm.s32 @!p0 $0x108  }
0x21: {  	s3 =	sadd.s32 s3, s9;
	s6 =	sadd.s32 @!p0 $0x88, s6;
	s7 =	simm.s32 @p2 $0x1082  }
0x22: {  	[simem:s7], [sflag:s8] =	dma.local @!p0 [hbm:s6], $0xF7A  }
0x23: {  	s9 =	sor.u32 $0xD0000000, s2;
	s6 =	simm.s32 $0x108;
	_ =	swait.ge @!p0 [sflag:s8], $0x0  }
0x24: {  	s3 =	sadd.s32 $0x88, s3;
	s6 =	simm.s32 @!p1 $0x1082;
	[sflag:s4] =	ssyncset.s32 $0xFFFFF086  }
0x25: {  	[simem:s6], [sflag:s4] =	dma.local [hbm:s3], $0xF7A  }
0x26: {  	[smem:$0x3F93] =	sst s1;
	(tag) =	ssettag s2;
	_ =	strace s9  }
0x27: {  	s1 =	sld [smem:$0x3FA3]  }
0x28: {  	s2 =	sld [smem:$0x3FA4]  }
0x29: {  	s4 =	sld [smem:$0x3FA6]  }
0x2a: {  	p0 =	seq.s32 s5, $0x0;
	s5 =	sld [smem:$0x3FA7]  }
0x2b: {  	s6 =	sld [smem:$0x3FA8]  }
0x2c: {  	s7 =	sld [smem:$0x3FA9]  }
0x2d: {  	s3 =	simm.s32 $0x108;
	s8 =	sld [smem:$0x3FAA]  }
0x2e: {  	s3 =	simm.s32 @!p0 $0x1082;
	s9 =	sld [smem:$0x3FAB]  }
0x2f: {  	lr =	sadd.s32 s0, s3;
	s0 =	sld [smem:$0x3FA2]  }
0x30: {  	s3 =	sld [smem:$0x3FA5]  }
0x31: {  	[smem:$0x3FAE] =	sst s10  }
0x32: {  	s10 =	sld [smem:$0x3FAC];
	_ =	sdelay $0x3  }
0x33: {  	p0 =	seq.s32 s10, $0x1;
	s10 =	sld [smem:$0x3FAE];
	_ =	sdelay $0x3  }
0x34: {  	[smem:$0x3FAE] =	sst s10  }
0x35: {  	s10 =	sld [smem:$0x3FAD];
	_ =	sdelay $0x3  }
0x36: {  	p1 =	seq.s32 s10, $0x1;
	s10 =	sld [smem:$0x3FAE];
	_ =	sdelay $0x3  }
0x37: {  	[smem:$0x3FAE] =	sst s10  }
0x38: {  	s10 =	sld [smem:$0x3FAF]  }
0x39: {  	_ = 	snop;
	(pc) =	sbr.ind lr, $3  }
0x3a: {  	_ = 	snop  }
0x3b: {  	_ = 	snop  }
0x3c: {  	p2 =	seq.s32 s10, $0x1;
	s10 =	sld [smem:$0x3FAE]  }
0x3d: {  	_ =	shalt  }
0x3e: {  	_ =	shalt  }
0x3f: {  	_ =	shalt  }
0x40: {  	_ =	shalt  }
0x41: {  	_ =	shalt  }
0x42: {  	_ =	shalt  }
0x43: {  	_ =	shalt  }
0x44: {  	_ =	shalt  }
0x45: {  	_ =	shalt  }
0x46: {  	_ =	shalt  }
0x47: {  	_ =	shalt  }
0x48: {  	_ =	shalt  }
0x49: {  	_ =	shalt  }
0x4a: {  	_ =	shalt  }
0x4b: {  	_ =	shalt  }
0x4c: {  	_ =	shalt  }
0x4d: {  	_ =	shalt  }
0x4e: {  	_ =	shalt  }
0x4f: {  	_ =	shalt  }
0x50: {  	_ =	shalt  }
0x51: {  	_ =	shalt  }
0x52: {  	_ =	shalt  }
0x53: {  	_ =	shalt  }
0x54: {  	_ =	shalt  }
0x55: {  	_ =	shalt  }
0x56: {  	_ =	shalt  }
0x57: {  	_ =	shalt  }
0x58: {  	_ =	shalt  }
0x59: {  	_ =	shalt  }
0x5a: {  	_ =	shalt  }
0x5b: {  	_ =	shalt  }
0x5c: {  	_ =	shalt  }
0x5d: {  	_ =	shalt  }
0x5e: {  	_ =	shalt  }
0x5f: {  	_ =	shalt  }
0x60: {  	_ =	shalt  }
0x61: {  	_ =	shalt  }
0x62: {  	_ =	shalt  }
0x63: {  	_ =	shalt  }
0x64: {  	_ =	shalt  }
0x65: {  	_ =	shalt  }
0x66: {  	_ =	shalt  }
0x67: {  	_ =	shalt  }
0x68: {  	_ =	shalt  }
0x69: {  	_ =	shalt  }
0x6a: {  	_ =	shalt  }
0x6b: {  	_ =	shalt  }
0x6c: {  	_ =	shalt  }
0x6d: {  	_ =	shalt  }
0x6e: {  	_ =	shalt  }
0x6f: {  	_ =	shalt  }
0x70: {  	_ =	shalt  }
0x71: {  	_ =	shalt  }
0x72: {  	_ =	shalt  }
0x73: {  	_ =	shalt  }
0x74: {  	_ =	shalt  }
0x75: {  	_ =	shalt  }
0x76: {  	_ =	shalt  }
0x77: {  	_ =	shalt  }
0x78: {  	_ =	shalt  }
0x79: {  	_ =	shalt  }
0x7a: {  	_ =	shalt  }
0x7b: {  	_ =	shalt  }
0x7c: {  	_ =	shalt  }
0x7d: {  	_ =	shalt  }
0x7e: {  	_ =	shalt  }
0x7f: {  	_ =	shalt  }
0x80: {  	_ =	shalt  }
0x81: {  	_ =	shalt  }
0x82: {  	_ =	shalt  }
0x83: {  	_ =	shalt  }
0x84: {  	_ =	shalt  }
0x85: {  	_ =	shalt  }
0x86: {  	_ =	shalt  }
0x87: {  	_ =	shalt  }
.Lfunc_end0:
.L_simem_size_0:
called_computation.1_lowered:
.L_overlay_start_0:
0x88: {  	s2 =	sld [smem:$0x3FD9]  }
0x89: {  	s3 =	sld [smem:$0x3FFE];
	_ =	sdelay $0x1  }
0x8a: {  	s1 =	srdreg.scid  }
0x8b: {  	s0 =	sand.u32 $0x1, s1  }
0x8c: {  	s15 =	sshll.u32 s0, $0xA;
	s2 =	sadd.s32 s3, s2  }
0x8d: {  	s2 =	sadd.s32 s2, s15  }
0x8e: {  	[smem:$0x3FBA] =	sst s2  }
0x8f: {  	_ = 	snop  }
0x90: {  	s2 =	sld [smem:$0x3FD0];
	_ =	sdelay $0x3  }
0x91: {  	s16 =	simm.s32 $0xE;
	s4 =	simm.s32 $0x10;
	s2 =	sadd.s32 $0x1, s2  }
0x92: {  	[smem:s4], [sflag:s16] =	dma.local [hbm:s2], $0x1  }
0x93: {  	_ =	swait.eq [sflag:s16], $0x1  }
0x94: {  	[sflag:s16] =	ssyncset.done $0x0  }
0x95: {  	[sflag:s16] =	ssyncadd.s32 $0xFFFFFFFF  }
0x96: {  	s17 =	sld [smem:$0x13];
	(tm) =	ssettm $0x1  }
0x97: {  	s18 =	sld [smem:$0x3FFB];
	_ =	sdelay $0x3  }
0x98: {  	_ =	strace s18  }
0x99: {  	s2 =	sld [smem:$0x3FFC];
	_ =	sdelay $0x3  }
0x9a: {  	_ =	strace s2  }
0x9b: {  	s2 =	sld [smem:$0x3FFD];
	_ =	sdelay $0x3  }
0x9c: {  	_ =	strace s2  }
0x9d: {  	_ =	strace $0x8FFFFFFF  }
0x9e: {  	s19 =	sld [smem:$0x3FDB];
	_ =	sdelay $0x1  }
0x9f: {  	s20 =	simm.s32 $_scs_section_size  }
0xa0: {  	s5 =	simm.s32 $_size__tile_overlayer_lowered;
	s6 =	simm.s32 $_tile_overlayer_lowered  }
0xa1: {  	s7 =	simm.s32 $0x1BFF;
	s21 =	sshll.u32 s6, $0x1;
	s4 =	sadd.s32 s20, s19  }
0xa2: {  	s22 =	simm.s32 $0x0;
	s5 =	sshll.u32 s5, $0x1;
	s6 =	sadd.s32 s21, s4  }
0xa3: {  	[timem:s22], [sflag:s7] =	dma.local [hbm:s6], s5  }
0xa4: {  	_ =	swait.ge [sflag:s7], s5  }
0xa5: {  	s5 =	ssub.s32 $0x0, s5;
	[sflag:s7] =	ssyncset.done $0x0  }
0xa6: {  	[sflag:s7] =	ssyncadd.s32 s5;
	_ =	sdelay $0x1  }
0xa7: {  	s23 =	simm.s32 $0x1B8B  }
0xa8: {  	_ =	swait.ge [sflag:s23], $0x1  }
0xa9: {  	[sflag:s23] =	ssyncset.done $0x0  }
0xaa: {  	[sflag:s23] =	ssyncadd.s32 $0xFFFFFFFF  }
0xab: {  	s5 =	sld [smem:$0x0]  }
0xac: {  	s6 =	sand.u32 $0xFFFFFFFE, s1  }
0xad: {  	p0 =	sne.s32 s1, s6  }
0xae: {  	s6 =	sshll.u32 @p0 s6, $0xE  }
0xaf: {  	s6 =	sadd.s32 @p0 $0x11B8D, s6;
	s7 =	sshll.u32 @p0 s5, $0x11  }
0xb0: {  	s6 =	sor.u32 @p0 s7, s6  }
0xb1: {  	[sflag:s6] =	ssyncadd.remote.s32 @p0 $0x1;
	_ =	sdelay $0x1  }
0xb2: {  	s6 =	simm.s32 @p0 $0x1B8D  }
0xb3: {  	_ =	swait.eq @p0 [sflag:s6], $0x1  }
0xb4: {  	[sflag:s6] =	ssyncadd.s32 @p0 $0xFFFFFFFF  }
0xb5: {  	s7 =	sshll.u32 @!p0 s1, $0xE  }
0xb6: {  	s7 =	sor.u32 @!p0 $0x4000, s7;
	s6 =	simm.s32 @!p0 $0x1B8D  }
0xb7: {  	s5 =	sshll.u32 @!p0 s5, $0x11;
	s7 =	sadd.s32 @!p0 $0x11B8D, s7;
	_ =	swait.eq @!p0 [sflag:s6], $0x1  }
0xb8: {  	s5 =	sor.u32 @!p0 s5, s7;
	[sflag:s6] =	ssyncadd.s32 @!p0 $0xFFFFFFFF  }
0xb9: {  	s25 =	simm.s32 $0x1B8E;
	s24 =	sld [smem:$0x3FFE];
	[sflag:s5] =	ssyncadd.remote.s32 @!p0 $0x1  }
0xba: {  	s26 =	simm.s32 $execute0_lowered;
	[smem:$0x3FD2] =	sst s25  }
0xbb: {  	s6 =	sshll.u32 s26, $0x1;
	_ =	strace $0x8000004F;
	[dreg:$0x1] =	wrdreg $0xFFFFFFFF  }
0xbc: {  	s28 =	simm.s32 $_size_execute0_lowered;
	s4 =	sadd.s32 s4, s6;
	[dreg:$0x0] =	wrdreg $0x0  }
0xbd: {  	s6 =	sshll.u32 s28, $0x1;
	[dreg:$0x2] =	wrdreg s4  }
0xbe: {  	[dreg:$0x3] =	wrdreg s6  }
0xbf: {  	[dreg:$0x4] =	wrdreg $0xC0  }
0xc0: {  	_ =	task [dreg:s22], $0x5FFFF  }
0xc1: {  	[dreg:$0x1] =	wrdreg $0xFFFFFFFF  }
0xc2: {  	[dreg:$0x0] =	wrdreg $0x60  }
0xc3: {  	[dreg:$0x2] =	wrdreg s24  }
0xc4: {  	[dreg:$0x3] =	wrdreg s17  }
0xc5: {  	[dreg:$0x4] =	wrdreg $0xA  }
0xc6: {  	_ =	task.clear_ibuf [dreg:s22], $0x5FFFF;
	_ =	strace $0x9000004F  }
0xc7: {  	s29 =	simm.s32 $0xA;
	_ =	strace $0x80000051  }
0xc8: {  	_ =	swait.ge [sflag:s29], $0x1  }
0xc9: {  	[sflag:s29] =	ssyncadd.s32 $0xFFFFFFFF  }
0xca: {  	_ =	strace $0x90000051  }
0xcb: {  	_ =	sfence  }
0xcc: {  	s30 =	sld [smem:$0x0];
	_ =	sdelay $0x2  }
0xcd: {  	s31 =	sshll.u32 s1, $0xD;
	s1 =	sshrl.u32 s1, $0x2  }
0xce: {  	s4 =	sand.u32 $0x4000, s31;
	s1 =	sadd.s32 s1, s30  }
0xcf: {  	s0 =	sor.u32 s4, s0;
	s1 =	sshll.u32 s1, $0x11  }
0xd0: {  	s0 =	sor.u32 s1, s0  }
0xd1: {  	s0 =	sadd.s32 $0x8F2B, s0  }
0xd2: {  	[sflag:s0] =	ssyncadd.remote.s32 $0x1  }
0xd3: {  	_ =	sfence.sel $0xFFFF  }
0xd4: {  	[dreg:$0x0] =	wrdreg $0xFFFFFFFF;
	(pc) =	sbr.abs _section_cstart, $3  }
0xd5: {  	[dreg:$0x1] =	wrdreg $0xFFFFFFFF  }
0xd6: {  	_ =	task.clear_ibuf [dreg:s22], $0x2FFFF;
	_ =	strace $0x9FFFFFFF  }
0xd7: {  	(tm) =	ssettm $0x7FFFFFFF  }
tec
execute0_lowered:
.L_overlay_start_1:
0x0: {  	(tag) =	ssettag $0x1  }
0x1: {  	s7 =	rddreg [dreg:$0x0]  }
0x2: {  	s2 =	rddreg [dreg:$0x1]  }
0x3: {  	s0 =	rddreg [dreg:$0x2]  }
0x4: {  	s1 =	srdreg.scid;
	_ =	strace $0x80000050;
	s4 =	simm.s32 $0x1  }
0x5: {  	s9 =	simm.s32 $0x3;
	s12 =	simm.s32 $0x0;
	s5 =	sshll.u32 s1, $0x4  }
.Ltmp0:
0x6: {  	s1 =	stileid.u32;
	s5 =	sand.u32 $0x10, s5;
	(pc) =	sbr.rel .LBB2_1-.Ltmp0, $4  }
0x7: {  	s10 =	simm.s32 $0x0;
	s3 =	sadd.s32 $0x22A00, s7;
	s6 =	sor.u32 s1, s5  }
0x8: {  	[sflag:s4] =	ssyncpa.u1 $0x0;
	s5 =	simm.s32 $0x2;
	s6 =	sshll.u32 s6, $0x6  }
0x9: {  	s7 =	sadd.s32 $0x4A00, s7;
	[sflag:s5] =	ssyncpa.u1 $0x0;
	s8 =	sadd.s32 $0x40, s6  }
0xa: {  	vm0 =	vmmov $0xff;
	vm1 =	vcmask $0x3F20;
	[sflag:s9] =	ssyncpa.u1 $0x0;
	s9 =	simm.s32 $0x40;
	s11 =	smov.u32 s6  }
.LBB2_9:
0xb: {  	p0 =	seq.s32 s10, $0x2  }
.Ltmp1:
0xc: {  	_ = 	snop;
	(pc) =	sbr.rel @p0 .LBB2_11-.Ltmp1, $1  }
0xd: {  	_ =	sdelay $0x3  }
.LBB2_10:
0xe: {  	s12 =	sadd.s32 $0x40, s11  }
0xf: {  	s13 =	smov.u32 s6;
	p0 =	slt.s32 s12, s8  }
0x10: {  	s13 =	smov.u32 @p0 s12  }
0x11: {  	s10 =	sadd.s32 $0x1, s10;
	s12 =	smov.u32 s11;
	s11 =	smov.u32 s13  }
.LBB2_1:
0x12: {  	p0 =	sne.s32 s10, $0x0  }
.Ltmp2:
0x13: {  	_ = 	snop;
	(pc) =	sbr.rel @!p0 .LBB2_2-.Ltmp2, $1  }
0x14: {  	_ =	sdelay $0x3  }
0x15: {  	s13 =	sand.u32 $0x1, s10  }
0x16: {  	p0 =	seq.s32 s13, $0x0  }
.Ltmp3:
0x17: {  	_ = 	snop;
	(pc) =	sbr.rel @p0 .LBB2_9-.Ltmp3, $1  }
0x18: {  	_ =	sdelay $0x3  }
0x19: {  	_ =	swait.ge [sflag:s5], $0x40  }
0x1a: {  	[sflag:s5] =	ssyncset.done $0x0  }
0x1b: {  	s13 =	simm.s32 $0x0;
	[sflag:s5] =	ssyncadd.s32 $0xFFFFFFC0  }
0x1c: {  	v0 =	vld.msk [tilespmem:s13+$0x40 ss:$0x1], $0xffff;
	_ =	sdelay $0x4  }
0x1d: {  	v1 =	vshll.u32 v0, $0x5  }
0x1e: {  	vm2 =	veq.s32 v0, $0x80000000;
	v0 =	vshll.u32 v0, $0x15;
	v1 =	vand.u32 $0x1FFF80, v1  }
0x1f: {  	v0 =	vand.u32 $0x600000, v0;
	v1 =	vsel vm2, $0xFFFFFF80, v1  }
0x20: {  	v0 =	vsel vm2, $0xFFE00000, v0;
	v2 =	vand.u32 $0xFFFFFC00, v1  }
0x21: {  	v1 =	vand.u32 $0x380, v1;
	v0 =	vadd.s32 v0, v2  }
0x22: {  	v0 =	vor.u32 v1, v0  }
0x23: {  	v0 =	vshrl.u32 v0, $0x3;
	_ =	sdelay $0x3  }
0x24: {  	s13 =	simm.s32 $0x2080  }
0x25: {  	[tilespmem:s13], [sflag:$0x1] =	stream.indirect_vreg.gather [hbm:s3], $0x80, v0, vm0, $0x38;
	[tilespmem:$0x4080] =	vst v63  }
0x26: {  	s14 =	simm.s32 $0x2480;
	s31 =	simm.s32 $0x10  }
0x27: {  	[tilespmem:s14], [sflag:$0x1] =	stream.indirect_vreg.gather [hbm:s3], $0x80, v0, vm1, $0x38;
	[tilespmem:$0x4080] =	vst v63  }
0x28: {  	s14 =	simm.s32 $0x80;
	v0 =	vld.msk [tilespmem:s31+$0x40 ss:$0x1], $0xffff  }
.LBB2_5:
0x29: {  	p0 =	sne.s32 s14, $0xC0;
	_ =	sdelay $0x4  }
0x2a: {  	v1 =	vshll.u32 v0, $0x5  }
0x2b: {  	vm2 =	veq.s32 v0, $0x80000000;
	v0 =	vshll.u32 v0, $0x15;
	v1 =	vand.u32 $0x1FFF80, v1  }
0x2c: {  	v0 =	vand.u32 $0x600000, v0;
	v1 =	vsel vm2, $0xFFFFFF80, v1  }
0x2d: {  	v0 =	vsel vm2, $0xFFE00000, v0;
	v2 =	vand.u32 $0xFFFFFC00, v1  }
0x2e: {  	v1 =	vand.u32 $0x380, v1;
	v0 =	vadd.s32 v0, v2  }
0x2f: {  	v0 =	vor.u32 v1, v0  }
0x30: {  	v0 =	vshrl.u32 v0, $0x3;
	_ =	sdelay $0x3  }
.Ltmp4:
0x31: {  	s13 =	sadd.s32 $0x800, s13;
	(pc) =	sbr.rel @p0 .LBB2_5-.Ltmp4, $4  }
0x32: {  	[tilespmem:s13], [sflag:$0x1] =	stream.indirect_vreg.gather [hbm:s3], $0x80, v0, vm0, $0x38;
	[tilespmem:$0x4080] =	vst v63  }
0x33: {  	s15 =	sshra.s32 s14, $0x2;
	s16 =	sadd.s32 $0x400, s13  }
0x34: {  	[tilespmem:s16], [sflag:$0x1] =	stream.indirect_vreg.gather [hbm:s3], $0x80, v0, vm1, $0x38;
	[tilespmem:$0x4080] =	vst v63  }
0x35: {  	s14 =	sadd.s32 $0x40, s14;
	v0 =	vld.msk [tilespmem:s15+$0x40 ss:$0x1], $0xffff  }
0x36: {  	_ =	sdelay $0x3  }
0x37: {  	v1 =	vshll.u32 v0, $0x5  }
0x38: {  	vm2 =	veq.s32 v0, $0x80000000;
	v63 =	vshll.u32 v0, $0x15;
	v1 =	vand.u32 $0x1FFF80, v1  }
0x39: {  	v0 =	vand.u32 $0x600000, v63;
	v1 =	vsel vm2, $0xFFFFFF80, v1  }
0x3a: {  	v0 =	vsel vm2, $0xFFE00000, v0;
	v2 =	vand.u32 $0xFFFFFC00, v1  }
0x3b: {  	v1 =	vand.u32 $0x380, v1;
	v0 =	vadd.s32 v0, v2  }
0x3c: {  	v0 =	vor.u32 v1, v0  }
0x3d: {  	v0 =	vshrl.u32 v0, $0x3;
	_ =	sdelay $0x3  }
0x3e: {  	s13 =	sadd.s32 $0x800, s13  }
0x3f: {  	[tilespmem:s13], [sflag:$0x1] =	stream.indirect_vreg.gather [hbm:s3], $0x80, v0, vm0, $0x38;
	[tilespmem:$0x4080] =	vst v63  }
0x40: {  	s13 =	sadd.s32 $0x400, s13  }
0x41: {  	[tilespmem:s13], [sflag:$0x1] =	stream.indirect_vreg.gather [hbm:s3], $0x80, v0, vm1, $0x38;
	[tilespmem:$0x4080] =	vst v63  }
0x42: {  	s12 =	sshll.u32 s12, $0x4;
	s14 =	simm.s32 $0x80;
	_ =	swait.ge [sflag:s4], $0x2000  }
0x43: {  	s15 =	simm.s32 $0x2480;
	s12 =	sadd.s32 s12, s7;
	[sflag:s4] =	ssyncset.done $0x0  }
0x44: {  	s16 =	sadd.s32 $0x0, s12;
	s13 =	simm.s32 $0x2080;
	[sflag:s4] =	ssyncadd.s32 $0xFFFFE000  }
.LBB2_7:
0x45: {  	[hbm:s16] =	stream.linear.scatter [tilespmem:s13], [sflag:$0x3], $0x400, $0x38;
	[tilespmem:$0x4080] =	vst v63  }
0x46: {  	s16 =	smov.u32 s14;
	s13 =	smov.u32 s15;
	p0 =	sne.s32 s14, $0x380  }
.Ltmp5:
0x47: {  	s14 =	sadd.s32 $0x80, s14;
	(pc) =	sbr.rel @p0 .LBB2_7-.Ltmp5, $2  }
0x48: {  	_ =	sdelay $0x2  }
0x49: {  	s15 =	sadd.s32 $0x400, s15;
	s16 =	sadd.s32 s16, s12  }
.Ltmp6:
0x4a: {  	(pc) =	sbr.rel .LBB2_9-.Ltmp6, $2  }
0x4b: {  	_ =	sdelay $0x2  }
0x4c: {  	[hbm:s16] =	stream.linear.scatter [tilespmem:s13], [sflag:$0x3], $0x400, $0x38;
	[tilespmem:$0x4080] =	vst v63  }
.LBB2_2:
.Ltmp7:
0x4d: {  	(pc) =	sbr.rel .LBB2_10-.Ltmp7, $4  }
0x4e: {  	_ = 	snop  }
0x4f: {  	s12 =	sshrl.u32 s11, $0x3  }
0x50: {  	s13 =	sand.u32 $0x7, s11;
	s12 =	sadd.s32 s2, s12  }
0x51: {  	[tilespmem:s9], [sflag:$0x2] =	stream.linear.gather [hbm4b:s12+s13], $0x40, $0x38;
	[tilespmem:$0x4080] =	vst v63  }
.LBB2_11:
0x52: {  	s2 =	simm.s32 $0x3  }
0x53: {  	_ =	swait.ge [sflag:s2], $0x2000  }
0x54: {  	[sflag:s2] =	ssyncset.done $0x0  }
0x55: {  	[sflag:s2] =	ssyncadd.s32 $0xFFFFE000  }
0x56: {  	_ =	sfence.sel $0x180000  }
0x57: {  	s3 =	simm.s32 $0x2;
	[bflag:$0x0] =	sbarrier.arrive $0xFFFF  }
0x58: {  	[sflag:s3] =	ssyncpa.u1 $0x1  }
0x59: {  	s31 =	simm.s32 $0x1;
	[sflag:s2] =	ssyncpa.u1 $0x1  }
0x5a: {  	[sflag:s31] =	ssyncpa.u1 $0x1  }
0x5b: {  	p0 =	sne.s32 s1, $0x0;
	_ =	strace $0x90000050  }
0x5c: {  	s0 =	sadd.s32 @!p0 $0x100000, s0;
	[bflag:$0x2] =	sbarrier.arrive $0xFFFF  }
0x5d: {  	[sflag:s0] =	ssyncadd.tile.s32 @!p0 $0x1;
	_ =	shalt  }
.Lfunc_end2:
_tile_overlayer_lowered:
.L_overlay_start_2:
0x5e: {  	(tag) =	ssettag $0x2  }
0x5f: {  	s0 =	rddreg [dreg:$0x0];
	s2 =	stileid.u32  }
0x60: {  	s1 =	rddreg [dreg:$0x1];
	p0 =	sne.s32 s2, $0x0  }
0x61: {  	s3 =	rddreg [dreg:$0x2];
	[bflag:$0x3] =	sbarrier.arrive $0xFFFF;
	s2 =	simm.s32 @!p0 $0x1C01  }
0x62: {  	[timem:s3], [sflag:s2] =	dma.local @!p0 [hbm:s0], s1  }
0x63: {  	s0 =	simm.s32 @!p0 $0x1  }
0x64: {  	_ =	swait.ge @!p0 [sflag:s0], s1  }
0x65: {  	s1 =	ssub.s32 @!p0 $0x0, s1;
	[sflag:s0] =	ssyncset.done @!p0 $0x0  }
0x66: {  	[sflag:s0] =	ssyncadd.s32 @!p0 s1  }
0x67: {  	[bflag:$0x3] =	sbarrier.arrive $0xFFFF  }
0x68: {  	_ =	shalt  }

// kernel: gather_offload_async_start.2
scs
__scs_entry_jumppad:
0x0: {  	(pc) =	sbr.rel $0x88, $3  }
0x1: {  	(tag) =	ssettag $0x0;
	lr =	simm.s32 $0x1  }
0x2: {  	[smem:$0x3F93] =	sst lr;
	_ =	strace $0xD0000000  }
0x3: {  	_ = 	snop  }
0x4: {  	_ = 	snop  }
0x5: {  	_ = 	snop  }
0x6: {  	_ = 	snop  }
0x7: {  	_ = 	snop  }
__scs_overlays_trampoline_lowered:
0x8: {  	[smem:$0x3FA2] =	sst s0  }
0x9: {  	[smem:$0x3FA3] =	sst s1  }
0xa: {  	[smem:$0x3FA4] =	sst s2  }
0xb: {  	[smem:$0x3FA5] =	sst s3  }
0xc: {  	[smem:$0x3FA6] =	sst s4  }
0xd: {  	[smem:$0x3FA7] =	sst s5  }
0xe: {  	[smem:$0x3FA8] =	sst s6  }
0xf: {  	[smem:$0x3FA9] =	sst s7  }
0x10: {  	[smem:$0x3FAA] =	sst s8  }
0x11: {  	[smem:$0x3FAB] =	sst s9;
	s0 =	simm.s32 @!p0 $0x0  }
0x12: {  	s1 =	sld [smem:$0x3F91];
	s0 =	simm.s32 @p0 $0x1  }
0x13: {  	[smem:$0x3FAC] =	sst s0;
	s0 =	simm.s32 @!p1 $0x0  }
0x14: {  	s2 =	sld [smem:$0x3F90];
	s0 =	simm.s32 @p1 $0x1  }
0x15: {  	[smem:$0x3FAD] =	sst s0;
	s0 =	simm.s32 @!p2 $0x0  }
0x16: {  	s3 =	sld [smem:$0x3FDB];
	s0 =	simm.s32 @p2 $0x1  }
0x17: {  	s4 =	simm.s32 $0x1BF5;
	[smem:$0x3FAF] =	sst s0  }
0x18: {  	s0 =	sld [smem:$0x3F92];
	_ =	swait.ge [sflag:s4], $0x0  }
0x19: {  	s7 =	sld [smem:$0x3F93]  }
0x1a: {  	s8 =	sadd.s32 $0xFFFFE003, lr  }
0x1b: {  	s9 =	sadd.s32 $0xFFFFFEF7, lr;
	s5 =	simm.s32 $0xFFFFFFFF;
	p2 =	slt.u32 s8, $0xFFFFF086  }
0x1c: {  	p1 =	slt.u32 s9, $0xF7A;
	s5 =	simm.s32 @!p2 $0x0  }
0x1d: {  	s5 =	simm.s32 @p1 $0x1;
	p0 =	seq.s32 s7, s2  }
0x1e: {  	s7 =	smul.u32 @!p0 $0xF7A, s2;
	p2 =	seq.s32 @!p0 s5, $0x0  }
0x1f: {  	s9 =	smul.u32 $0xF7A, s1;
	s8 =	simm.s32 @!p0 $0x1BF5;
	p2 =	por !p2, p0  }
0x20: {  	[sflag:s8] =	ssyncset.s32 @!p0 $0xFFFFF086;
	s6 =	sadd.s32 @!p0 s3, s7;
	s7 =	simm.s32 @!p0 $0x108  }
0x21: {  	s3 =	sadd.s32 s3, s9;
	s6 =	sadd.s32 @!p0 $0x88, s6;
	s7 =	simm.s32 @p2 $0x1082  }
0x22: {  	[simem:s7], [sflag:s8] =	dma.local @!p0 [hbm:s6], $0xF7A  }
0x23: {  	s9 =	sor.u32 $0xD0000000, s2;
	s6 =	simm.s32 $0x108;
	_ =	swait.ge @!p0 [sflag:s8], $0x0  }
0x24: {  	s3 =	sadd.s32 $0x88, s3;
	s6 =	simm.s32 @!p1 $0x1082;
	[sflag:s4] =	ssyncset.s32 $0xFFFFF086  }
0x25: {  	[simem:s6], [sflag:s4] =	dma.local [hbm:s3], $0xF7A  }
0x26: {  	[smem:$0x3F93] =	sst s1;
	(tag) =	ssettag s2;
	_ =	strace s9  }
0x27: {  	s1 =	sld [smem:$0x3FA3]  }
0x28: {  	s2 =	sld [smem:$0x3FA4]  }
0x29: {  	s4 =	sld [smem:$0x3FA6]  }
0x2a: {  	p0 =	seq.s32 s5, $0x0;
	s5 =	sld [smem:$0x3FA7]  }
0x2b: {  	s6 =	sld [smem:$0x3FA8]  }
0x2c: {  	s7 =	sld [smem:$0x3FA9]  }
0x2d: {  	s3 =	simm.s32 $0x108;
	s8 =	sld [smem:$0x3FAA]  }
0x2e: {  	s3 =	simm.s32 @!p0 $0x1082;
	s9 =	sld [smem:$0x3FAB]  }
0x2f: {  	lr =	sadd.s32 s0, s3;
	s0 =	sld [smem:$0x3FA2]  }
0x30: {  	s3 =	sld [smem:$0x3FA5]  }
0x31: {  	[smem:$0x3FAE] =	sst s10  }
0x32: {  	s10 =	sld [smem:$0x3FAC];
	_ =	sdelay $0x3  }
0x33: {  	p0 =	seq.s32 s10, $0x1;
	s10 =	sld [smem:$0x3FAE];
	_ =	sdelay $0x3  }
0x34: {  	[smem:$0x3FAE] =	sst s10  }
0x35: {  	s10 =	sld [smem:$0x3FAD];
	_ =	sdelay $0x3  }
0x36: {  	p1 =	seq.s32 s10, $0x1;
	s10 =	sld [smem:$0x3FAE];
	_ =	sdelay $0x3  }
0x37: {  	[smem:$0x3FAE] =	sst s10  }
0x38: {  	s10 =	sld [smem:$0x3FAF]  }
0x39: {  	_ = 	snop;
	(pc) =	sbr.ind lr, $3  }
0x3a: {  	_ = 	snop  }
0x3b: {  	_ = 	snop  }
0x3c: {  	p2 =	seq.s32 s10, $0x1;
	s10 =	sld [smem:$0x3FAE]  }
0x3d: {  	_ =	shalt  }
0x3e: {  	_ =	shalt  }
0x3f: {  	_ =	shalt  }
0x40: {  	_ =	shalt  }
0x41: {  	_ =	shalt  }
0x42: {  	_ =	shalt  }
0x43: {  	_ =	shalt  }
0x44: {  	_ =	shalt  }
0x45: {  	_ =	shalt  }
0x46: {  	_ =	shalt  }
0x47: {  	_ =	shalt  }
0x48: {  	_ =	shalt  }
0x49: {  	_ =	shalt  }
0x4a: {  	_ =	shalt  }
0x4b: {  	_ =	shalt  }
0x4c: {  	_ =	shalt  }
0x4d: {  	_ =	shalt  }
0x4e: {  	_ =	shalt  }
0x4f: {  	_ =	shalt  }
0x50: {  	_ =	shalt  }
0x51: {  	_ =	shalt  }
0x52: {  	_ =	shalt  }
0x53: {  	_ =	shalt  }
0x54: {  	_ =	shalt  }
0x55: {  	_ =	shalt  }
0x56: {  	_ =	shalt  }
0x57: {  	_ =	shalt  }
0x58: {  	_ =	shalt  }
0x59: {  	_ =	shalt  }
0x5a: {  	_ =	shalt  }
0x5b: {  	_ =	shalt  }
0x5c: {  	_ =	shalt  }
0x5d: {  	_ =	shalt  }
0x5e: {  	_ =	shalt  }
0x5f: {  	_ =	shalt  }
0x60: {  	_ =	shalt  }
0x61: {  	_ =	shalt  }
0x62: {  	_ =	shalt  }
0x63: {  	_ =	shalt  }
0x64: {  	_ =	shalt  }
0x65: {  	_ =	shalt  }
0x66: {  	_ =	shalt  }
0x67: {  	_ =	shalt  }
0x68: {  	_ =	shalt  }
0x69: {  	_ =	shalt  }
0x6a: {  	_ =	shalt  }
0x6b: {  	_ =	shalt  }
0x6c: {  	_ =	shalt  }
0x6d: {  	_ =	shalt  }
0x6e: {  	_ =	shalt  }
0x6f: {  	_ =	shalt  }
0x70: {  	_ =	shalt  }
0x71: {  	_ =	shalt  }
0x72: {  	_ =	shalt  }
0x73: {  	_ =	shalt  }
0x74: {  	_ =	shalt  }
0x75: {  	_ =	shalt  }
0x76: {  	_ =	shalt  }
0x77: {  	_ =	shalt  }
0x78: {  	_ =	shalt  }
0x79: {  	_ =	shalt  }
0x7a: {  	_ =	shalt  }
0x7b: {  	_ =	shalt  }
0x7c: {  	_ =	shalt  }
0x7d: {  	_ =	shalt  }
0x7e: {  	_ =	shalt  }
0x7f: {  	_ =	shalt  }
0x80: {  	_ =	shalt  }
0x81: {  	_ =	shalt  }
0x82: {  	_ =	shalt  }
0x83: {  	_ =	shalt  }
0x84: {  	_ =	shalt  }
0x85: {  	_ =	shalt  }
0x86: {  	_ =	shalt  }
0x87: {  	_ =	shalt  }
.Lfunc_end0:
.L_simem_size_0:
called_computation.2_lowered:
.L_overlay_start_0:
0x88: {  	s2 =	sld [smem:$0x3FD9]  }
0x89: {  	s3 =	sld [smem:$0x3FFE];
	_ =	sdelay $0x1  }
0x8a: {  	s1 =	srdreg.scid  }
0x8b: {  	s0 =	sand.u32 $0x1, s1  }
0x8c: {  	s14 =	sshll.u32 s0, $0xA;
	s2 =	sadd.s32 s3, s2  }
0x8d: {  	s2 =	sadd.s32 s2, s14  }
0x8e: {  	[smem:$0x3FBA] =	sst s2  }
0x8f: {  	_ = 	snop  }
0x90: {  	s2 =	sld [smem:$0x3FD0];
	_ =	sdelay $0x3  }
0x91: {  	s4 =	simm.s32 $0xE;
	s5 =	simm.s32 $0x10;
	s15 =	sadd.s32 $0x1, s2  }
0x92: {  	[smem:s5], [sflag:s4] =	dma.local [hbm:s15], $0x1  }
0x93: {  	_ =	swait.eq [sflag:s4], $0x1  }
0x94: {  	[sflag:s4] =	ssyncset.done $0x0  }
0x95: {  	[sflag:s4] =	ssyncadd.s32 $0xFFFFFFFF  }
0x96: {  	s16 =	sld [smem:$0x13]  }
0x97: {  	[smem:s5], [sflag:s4] =	dma.local [hbm:s2], $0x1  }
0x98: {  	_ =	swait.eq [sflag:s4], $0x1  }
0x99: {  	[sflag:s4] =	ssyncset.done $0x0  }
0x9a: {  	[sflag:s4] =	ssyncadd.s32 $0xFFFFFFFF  }
0x9b: {  	s17 =	sld [smem:$0x16];
	(tm) =	ssettm $0x1  }
0x9c: {  	s18 =	sld [smem:$0x3FFB];
	_ =	sdelay $0x3  }
0x9d: {  	_ =	strace s18  }
0x9e: {  	s2 =	sld [smem:$0x3FFC];
	_ =	sdelay $0x3  }
0x9f: {  	_ =	strace s2  }
0xa0: {  	s2 =	sld [smem:$0x3FFD];
	_ =	sdelay $0x3  }
0xa1: {  	_ =	strace s2  }
0xa2: {  	_ =	strace $0x8FFFFFFF  }
0xa3: {  	s19 =	sld [smem:$0x3FDB];
	_ =	sdelay $0x1  }
0xa4: {  	s20 =	simm.s32 $_scs_section_size  }
0xa5: {  	s6 =	simm.s32 $_size__tile_overlayer_lowered;
	s7 =	simm.s32 $_tile_overlayer_lowered  }
0xa6: {  	s8 =	simm.s32 $0x1BFF;
	s21 =	sshll.u32 s7, $0x1;
	s5 =	sadd.s32 s20, s19  }
0xa7: {  	s22 =	simm.s32 $0x0;
	s6 =	sshll.u32 s6, $0x1;
	s7 =	sadd.s32 s21, s5  }
0xa8: {  	[timem:s22], [sflag:s8] =	dma.local [hbm:s7], s6  }
0xa9: {  	_ =	swait.ge [sflag:s8], s6  }
0xaa: {  	s6 =	ssub.s32 $0x0, s6;
	[sflag:s8] =	ssyncset.done $0x0  }
0xab: {  	[sflag:s8] =	ssyncadd.s32 s6;
	_ =	sdelay $0x1  }
0xac: {  	s23 =	simm.s32 $0x1B8B  }
0xad: {  	_ =	swait.ge [sflag:s23], $0x1  }
0xae: {  	[sflag:s23] =	ssyncset.done $0x0  }
0xaf: {  	[sflag:s23] =	ssyncadd.s32 $0xFFFFFFFF  }
0xb0: {  	s6 =	sld [smem:$0x0]  }
0xb1: {  	s7 =	sand.u32 $0xFFFFFFFE, s1  }
0xb2: {  	p0 =	sne.s32 s1, s7  }
0xb3: {  	s7 =	sshll.u32 @p0 s7, $0xE  }
0xb4: {  	s7 =	sadd.s32 @p0 $0x11B8D, s7;
	s8 =	sshll.u32 @p0 s6, $0x11  }
0xb5: {  	s7 =	sor.u32 @p0 s8, s7  }
0xb6: {  	[sflag:s7] =	ssyncadd.remote.s32 @p0 $0x1;
	_ =	sdelay $0x1  }
0xb7: {  	s7 =	simm.s32 @p0 $0x1B8D  }
0xb8: {  	_ =	swait.eq @p0 [sflag:s7], $0x1  }
0xb9: {  	[sflag:s7] =	ssyncadd.s32 @p0 $0xFFFFFFFF  }
0xba: {  	s8 =	sshll.u32 @!p0 s1, $0xE  }
0xbb: {  	s8 =	sor.u32 @!p0 $0x4000, s8;
	s7 =	simm.s32 @!p0 $0x1B8D  }
0xbc: {  	s6 =	sshll.u32 @!p0 s6, $0x11;
	s8 =	sadd.s32 @!p0 $0x11B8D, s8;
	_ =	swait.eq @!p0 [sflag:s7], $0x1  }
0xbd: {  	s6 =	sor.u32 @!p0 s6, s8;
	[sflag:s7] =	ssyncadd.s32 @!p0 $0xFFFFFFFF  }
0xbe: {  	s25 =	simm.s32 $0x1B8E;
	s24 =	sld [smem:$0x3FFE];
	[sflag:s6] =	ssyncadd.remote.s32 @!p0 $0x1  }
0xbf: {  	s26 =	simm.s32 $execute0_lowered;
	[smem:$0x3FD2] =	sst s25  }
0xc0: {  	s7 =	sshll.u32 s26, $0x1;
	_ =	strace $0x8000004C;
	[dreg:$0x1] =	wrdreg $0xFFFFFFFF  }
0xc1: {  	s28 =	simm.s32 $_size_execute0_lowered;
	s5 =	sadd.s32 s5, s7;
	[dreg:$0x0] =	wrdreg $0x0  }
0xc2: {  	s7 =	sshll.u32 s28, $0x1;
	[dreg:$0x2] =	wrdreg s5  }
0xc3: {  	[dreg:$0x3] =	wrdreg s7  }
0xc4: {  	[dreg:$0x4] =	wrdreg $0xC0  }
0xc5: {  	_ =	task [dreg:s22], $0x5FFFF  }
0xc6: {  	[dreg:$0x1] =	wrdreg $0xFFFFFFFF  }
0xc7: {  	[dreg:$0x0] =	wrdreg $0x60  }
0xc8: {  	[dreg:$0x2] =	wrdreg s24  }
0xc9: {  	[dreg:$0x3] =	wrdreg s16  }
0xca: {  	[dreg:$0x4] =	wrdreg s17  }
0xcb: {  	[dreg:$0x5] =	wrdreg $0xB  }
0xcc: {  	_ =	task.clear_ibuf [dreg:s22], $0x6FFFF;
	_ =	strace $0x9000004C  }
0xcd: {  	s29 =	simm.s32 $0xB;
	_ =	strace $0x8000004E  }
0xce: {  	_ =	swait.ge [sflag:s29], $0x1  }
0xcf: {  	[sflag:s29] =	ssyncadd.s32 $0xFFFFFFFF  }
0xd0: {  	_ =	strace $0x9000004E  }
0xd1: {  	_ =	sfence  }
0xd2: {  	s30 =	sld [smem:$0x0];
	_ =	sdelay $0x2  }
0xd3: {  	s31 =	sshll.u32 s1, $0xD;
	s1 =	sshrl.u32 s1, $0x2  }
0xd4: {  	s4 =	sand.u32 $0x4000, s31;
	s1 =	sadd.s32 s1, s30  }
0xd5: {  	s0 =	sor.u32 s4, s0;
	s1 =	sshll.u32 s1, $0x11  }
0xd6: {  	s0 =	sor.u32 s1, s0  }
0xd7: {  	s0 =	sadd.s32 $0x8F2B, s0  }
0xd8: {  	[sflag:s0] =	ssyncadd.remote.s32 $0x1  }
0xd9: {  	_ =	sfence.sel $0xFFFF  }
0xda: {  	[dreg:$0x0] =	wrdreg $0xFFFFFFFF;
	(pc) =	sbr.abs _section_cstart, $3  }
0xdb: {  	[dreg:$0x1] =	wrdreg $0xFFFFFFFF  }
0xdc: {  	_ =	task.clear_ibuf [dreg:s22], $0x2FFFF;
	_ =	strace $0x9FFFFFFF  }
0xdd: {  	(tm) =	ssettm $0x7FFFFFFF  }
tec
execute0_lowered:
.L_overlay_start_1:
0x0: {  	(tag) =	ssettag $0x1  }
0x1: {  	s1 =	srdreg.scid;
	s8 =	rddreg [dreg:$0x0]  }
0x2: {  	s0 =	stileid.u32;
	s2 =	rddreg [dreg:$0x1]  }
0x3: {  	s3 =	rddreg [dreg:$0x2];
	s5 =	simm.s32 $0x1;
	s1 =	sshll.u32 s1, $0x5  }
0x4: {  	s9 =	simm.s32 $0x1;
	s4 =	sshll.u32 s0, $0x6;
	s1 =	sand.u32 $0x20, s1  }
0x5: {  	s10 =	simm.s32 $0x3;
	s13 =	simm.s32 $0x0;
	s4 =	sor.u32 s4, s1  }
0x6: {  	s12 =	simm.s32 $0x0;
	s1 =	rddreg [dreg:$0x3];
	s7 =	ssub.s32 $0x800, s4  }
.Ltmp0:
0x7: {  	_ =	strace $0x8000004D;
	s6 =	sand.u32 $0x3E0, s7;
	(pc) =	sbr.rel .LBB2_1-.Ltmp0, $4  }
0x8: {  	s8 =	sadd.s32 $0x2A00, s8;
	[sflag:s5] =	ssyncpa.u1 $0x0;
	p0 =	sne.s32 s6, $0x0  }
0x9: {  	s7 =	sshrl.u32 s7, $0xA;
	s6 =	simm.s32 $0x2;
	s9 =	simm.s32 @!p0 $0x0  }
0xa: {  	s11 =	smov.u32 s4;
	[sflag:s6] =	ssyncpa.u1 $0x0;
	s7 =	sadd.s32 s9, s7  }
0xb: {  	vm0 =	vmmov $0xffff;
	[sflag:s10] =	ssyncpa.u1 $0x0;
	s10 =	simm.s32 $0x0;
	s9 =	sadd.s32 $0x1, s7  }
.LBB2_5:
0xc: {  	s15 =	sadd.s32 $0x400, s11  }
0xd: {  	p1 =	sgt.s32 s15, $0x7FF  }
0xe: {  	s15 =	smov.u32 @p1 s4;
	p1 =	sne.s32 s12, s9  }
.Ltmp1:
0xf: {  	p0 =	slt.u32 s12, $0x2;
	(pc) =	sbr.rel @!p1 .LBB2_6-.Ltmp1, $4  }
0x10: {  	s14 =	simm.s32 @!p0 $0x3  }
0x11: {  	_ =	swait.ge @!p0 [sflag:s14], $0x20  }
0x12: {  	s16 =	sadd.s32 $0x1, s12;
	s13 =	smov.u32 s11;
	[sflag:s14] =	ssyncset.done @!p0 $0x0  }
0x13: {  	s12 =	smov.u32 s16;
	s11 =	smov.u32 s15;
	[sflag:s14] =	ssyncadd.s32 @!p0 $0xFFFFFFE0  }
.LBB2_1:
0x14: {  	p0 =	sge.u32 s12, s7  }
0x15: {  	s14 =	sxor.u32 @!p0 $0xFFFFFFFF, s12  }
0x16: {  	s31 =	sadd.s32 $0xFFFFFFFF, s12;
	s15 =	sshrl.u32 @!p0 s11, $0x3;
	s14 =	sshll.u32 @!p0 s14, $0x5  }
0x17: {  	s16 =	sand.u32 @!p0 $0x7, s11;
	s15 =	sadd.s32 @!p0 s2, s15;
	s14 =	sand.u32 @!p0 $0x20, s14  }
0x18: {  	[tilespmem:s14], [sflag:$0x2] =	stream.linear.gather @!p0 [hbm4b:s15+s16], $0x20, $0x38;
	[tilespmem:$0x80] =	vst v63  }
0x19: {  	p0 =	sge.u32 s31, s7  }
.Ltmp2:
0x1a: {  	_ = 	snop;
	(pc) =	sbr.rel @p0 .LBB2_5-.Ltmp2, $1  }
0x1b: {  	_ =	sdelay $0x3  }
0x1c: {  	_ =	swait.ge [sflag:s6], $0x20;
	s14 =	sshll.u32 s12, $0x5;
	s16 =	simm.s32 $0x0  }
0x1d: {  	p0 =	por $0x1, $0x1;
	[sflag:s6] =	ssyncset.done $0x0;
	s15 =	sand.u32 $0x20, s14  }
0x1e: {  	[sflag:s6] =	ssyncadd.s32 $0xFFFFFFE0;
	(ifvalue) =	ssetifvalue $0x7FFFFFFF;
	s14 =	sor.u32 $0x40, s15  }
.LBB2_3:
0x1f: {  	s17 =	sadd.s32 s16, s15  }
0x20: {  	v0 =	vld.msk [tilespmem:s17+$0x0 ss:$0x1], $0xffff;
	_ =	sdelay $0x4  }
0x21: {  	v1 =	vshrl.u32 v0, $0x2  }
0x22: {  	vm1 =	veq.s32 v0, $0x80000000;
	v1 =	vand.u32 $0x3FFF, v1  }
0x23: {  	v0 =	vand.u32 $0x3, v0;
	v1 =	vsel vm1, $0xFFFFFFFF, v1  }
0x24: {  	v0 =	vsel vm1, $0xFFFFFFFF, v0;
	v2 =	vshll.u32 v1, $0x2  }
0x25: {  	v3 =	vand.u32 $0xFFFF0000, v0;
	v0 =	vshll.u32 v0, $0x7;
	v2 =	vand.u32 $0xFFFFFE00, v2  }
0x26: {  	v0 =	vand.u32 $0x180, v0;
	v2 =	vadd.s32 v3, v2  }
0x27: {  	v1 =	vand.u32 $0x7F, v1;
	v0 =	vor.u32 v0, v2  }
0x28: {  	p1 =	por p0, p0;
	v0 =	vor.u32 v1, v0  }
.Ltmp3:
0x29: {  	_ = 	snop;
	(pc) =	sbr.rel @p1 .LBB2_3-.Ltmp3, $4  }
0x2a: {  	_ = 	snop  }
0x2b: {  	s31 =	sadd.s32 s16, s14  }
0x2c: {  	s16 =	simm.s32 $0x10;
	p0 =	por $0x0, $0x0;
	(ifvalue) =	ssetifvalue $0x7FFFFFFF  }
0x2d: {  	[tilespmem:s31], [sflag:$0x1] =	stream.indirect_vreg.gather [hbm4b:s8+s10], $0x1, v0, vm0, $0x4038;
	[tilespmem:$0x80] =	vst v63  }
.Ltmp4:
0x2e: {  	(pc) =	sbr.rel .LBB2_5-.Ltmp4, $4  }
0x2f: {  	_ =	swait.ge [sflag:s5], $0x20  }
0x30: {  	s15 =	sshrl.u32 s13, $0x3;
	[sflag:s5] =	ssyncset.done $0x0  }
0x31: {  	s31 =	sand.u32 $0x7, s13;
	s15 =	sadd.s32 s3, s15;
	[sflag:s5] =	ssyncadd.s32 $0xFFFFFFE0  }
0x32: {  	[hbm4b:s15+s31] =	stream.linear.scatter [tilespmem:s14], [sflag:$0x3], $0x20, $0x38;
	[tilespmem:$0x80] =	vst v63  }
.LBB2_6:
0x33: {  	_ =	sfence.sel $0x180000  }
0x34: {  	s2 =	simm.s32 $0x2;
	[bflag:$0x0] =	sbarrier.arrive $0xFFFF  }
0x35: {  	s30 =	simm.s32 $0x3;
	[sflag:s2] =	ssyncpa.u1 $0x1  }
0x36: {  	s31 =	simm.s32 $0x1;
	[sflag:s30] =	ssyncpa.u1 $0x1  }
0x37: {  	[sflag:s31] =	ssyncpa.u1 $0x1  }
0x38: {  	p0 =	sne.s32 s0, $0x0;
	_ =	strace $0x9000004D  }
0x39: {  	s0 =	sadd.s32 @!p0 $0x100000, s1;
	[bflag:$0x2] =	sbarrier.arrive $0xFFFF  }
0x3a: {  	[sflag:s0] =	ssyncadd.tile.s32 @!p0 $0x1;
	_ =	shalt  }
.Lfunc_end2:
_tile_overlayer_lowered:
.L_overlay_start_2:
0x3b: {  	(tag) =	ssettag $0x2  }
0x3c: {  	s0 =	rddreg [dreg:$0x0];
	s2 =	stileid.u32  }
0x3d: {  	s1 =	rddreg [dreg:$0x1];
	p0 =	sne.s32 s2, $0x0  }
0x3e: {  	s3 =	rddreg [dreg:$0x2];
	[bflag:$0x3] =	sbarrier.arrive $0xFFFF;
	s2 =	simm.s32 @!p0 $0x1C01  }
0x3f: {  	[timem:s3], [sflag:s2] =	dma.local @!p0 [hbm:s0], s1  }
0x40: {  	s0 =	simm.s32 @!p0 $0x1  }
0x41: {  	_ =	swait.ge @!p0 [sflag:s0], s1  }
0x42: {  	s1 =	ssub.s32 @!p0 $0x0, s1;
	[sflag:s0] =	ssyncset.done @!p0 $0x0  }
0x43: {  	[sflag:s0] =	ssyncadd.s32 @!p0 s1  }
0x44: {  	[bflag:$0x3] =	sbarrier.arrive $0xFFFF  }
0x45: {  	_ =	shalt  }

// kernel: gather_offload_async_start.3
scs
__scs_entry_jumppad:
0x0: {  	(pc) =	sbr.rel $0x88, $3  }
0x1: {  	(tag) =	ssettag $0x0;
	lr =	simm.s32 $0x1  }
0x2: {  	[smem:$0x3F93] =	sst lr;
	_ =	strace $0xD0000000  }
0x3: {  	_ = 	snop  }
0x4: {  	_ = 	snop  }
0x5: {  	_ = 	snop  }
0x6: {  	_ = 	snop  }
0x7: {  	_ = 	snop  }
__scs_overlays_trampoline_lowered:
0x8: {  	[smem:$0x3FA2] =	sst s0  }
0x9: {  	[smem:$0x3FA3] =	sst s1  }
0xa: {  	[smem:$0x3FA4] =	sst s2  }
0xb: {  	[smem:$0x3FA5] =	sst s3  }
0xc: {  	[smem:$0x3FA6] =	sst s4  }
0xd: {  	[smem:$0x3FA7] =	sst s5  }
0xe: {  	[smem:$0x3FA8] =	sst s6  }
0xf: {  	[smem:$0x3FA9] =	sst s7  }
0x10: {  	[smem:$0x3FAA] =	sst s8  }
0x11: {  	[smem:$0x3FAB] =	sst s9;
	s0 =	simm.s32 @!p0 $0x0  }
0x12: {  	s1 =	sld [smem:$0x3F91];
	s0 =	simm.s32 @p0 $0x1  }
0x13: {  	[smem:$0x3FAC] =	sst s0;
	s0 =	simm.s32 @!p1 $0x0  }
0x14: {  	s2 =	sld [smem:$0x3F90];
	s0 =	simm.s32 @p1 $0x1  }
0x15: {  	[smem:$0x3FAD] =	sst s0;
	s0 =	simm.s32 @!p2 $0x0  }
0x16: {  	s3 =	sld [smem:$0x3FDB];
	s0 =	simm.s32 @p2 $0x1  }
0x17: {  	s4 =	simm.s32 $0x1BF5;
	[smem:$0x3FAF] =	sst s0  }
0x18: {  	s0 =	sld [smem:$0x3F92];
	_ =	swait.ge [sflag:s4], $0x0  }
0x19: {  	s7 =	sld [smem:$0x3F93]  }
0x1a: {  	s8 =	sadd.s32 $0xFFFFE003, lr  }
0x1b: {  	s9 =	sadd.s32 $0xFFFFFEF7, lr;
	s5 =	simm.s32 $0xFFFFFFFF;
	p2 =	slt.u32 s8, $0xFFFFF086  }
0x1c: {  	p1 =	slt.u32 s9, $0xF7A;
	s5 =	simm.s32 @!p2 $0x0  }
0x1d: {  	s5 =	simm.s32 @p1 $0x1;
	p0 =	seq.s32 s7, s2  }
0x1e: {  	s7 =	smul.u32 @!p0 $0xF7A, s2;
	p2 =	seq.s32 @!p0 s5, $0x0  }
0x1f: {  	s9 =	smul.u32 $0xF7A, s1;
	s8 =	simm.s32 @!p0 $0x1BF5;
	p2 =	por !p2, p0  }
0x20: {  	[sflag:s8] =	ssyncset.s32 @!p0 $0xFFFFF086;
	s6 =	sadd.s32 @!p0 s3, s7;
	s7 =	simm.s32 @!p0 $0x108  }
0x21: {  	s3 =	sadd.s32 s3, s9;
	s6 =	sadd.s32 @!p0 $0x88, s6;
	s7 =	simm.s32 @p2 $0x1082  }
0x22: {  	[simem:s7], [sflag:s8] =	dma.local @!p0 [hbm:s6], $0xF7A  }
0x23: {  	s9 =	sor.u32 $0xD0000000, s2;
	s6 =	simm.s32 $0x108;
	_ =	swait.ge @!p0 [sflag:s8], $0x0  }
0x24: {  	s3 =	sadd.s32 $0x88, s3;
	s6 =	simm.s32 @!p1 $0x1082;
	[sflag:s4] =	ssyncset.s32 $0xFFFFF086  }
0x25: {  	[simem:s6], [sflag:s4] =	dma.local [hbm:s3], $0xF7A  }
0x26: {  	[smem:$0x3F93] =	sst s1;
	(tag) =	ssettag s2;
	_ =	strace s9  }
0x27: {  	s1 =	sld [smem:$0x3FA3]  }
0x28: {  	s2 =	sld [smem:$0x3FA4]  }
0x29: {  	s4 =	sld [smem:$0x3FA6]  }
0x2a: {  	p0 =	seq.s32 s5, $0x0;
	s5 =	sld [smem:$0x3FA7]  }
0x2b: {  	s6 =	sld [smem:$0x3FA8]  }
0x2c: {  	s7 =	sld [smem:$0x3FA9]  }
0x2d: {  	s3 =	simm.s32 $0x108;
	s8 =	sld [smem:$0x3FAA]  }
0x2e: {  	s3 =	simm.s32 @!p0 $0x1082;
	s9 =	sld [smem:$0x3FAB]  }
0x2f: {  	lr =	sadd.s32 s0, s3;
	s0 =	sld [smem:$0x3FA2]  }
0x30: {  	s3 =	sld [smem:$0x3FA5]  }
0x31: {  	[smem:$0x3FAE] =	sst s10  }
0x32: {  	s10 =	sld [smem:$0x3FAC];
	_ =	sdelay $0x3  }
0x33: {  	p0 =	seq.s32 s10, $0x1;
	s10 =	sld [smem:$0x3FAE];
	_ =	sdelay $0x3  }
0x34: {  	[smem:$0x3FAE] =	sst s10  }
0x35: {  	s10 =	sld [smem:$0x3FAD];
	_ =	sdelay $0x3  }
0x36: {  	p1 =	seq.s32 s10, $0x1;
	s10 =	sld [smem:$0x3FAE];
	_ =	sdelay $0x3  }
0x37: {  	[smem:$0x3FAE] =	sst s10  }
0x38: {  	s10 =	sld [smem:$0x3FAF]  }
0x39: {  	_ = 	snop;
	(pc) =	sbr.ind lr, $3  }
0x3a: {  	_ = 	snop  }
0x3b: {  	_ = 	snop  }
0x3c: {  	p2 =	seq.s32 s10, $0x1;
	s10 =	sld [smem:$0x3FAE]  }
0x3d: {  	_ =	shalt  }
0x3e: {  	_ =	shalt  }
0x3f: {  	_ =	shalt  }
0x40: {  	_ =	shalt  }
0x41: {  	_ =	shalt  }
0x42: {  	_ =	shalt  }
0x43: {  	_ =	shalt  }
0x44: {  	_ =	shalt  }
0x45: {  	_ =	shalt  }
0x46: {  	_ =	shalt  }
0x47: {  	_ =	shalt  }
0x48: {  	_ =	shalt  }
0x49: {  	_ =	shalt  }
0x4a: {  	_ =	shalt  }
0x4b: {  	_ =	shalt  }
0x4c: {  	_ =	shalt  }
0x4d: {  	_ =	shalt  }
0x4e: {  	_ =	shalt  }
0x4f: {  	_ =	shalt  }
0x50: {  	_ =	shalt  }
0x51: {  	_ =	shalt  }
0x52: {  	_ =	shalt  }
0x53: {  	_ =	shalt  }
0x54: {  	_ =	shalt  }
0x55: {  	_ =	shalt  }
0x56: {  	_ =	shalt  }
0x57: {  	_ =	shalt  }
0x58: {  	_ =	shalt  }
0x59: {  	_ =	shalt  }
0x5a: {  	_ =	shalt  }
0x5b: {  	_ =	shalt  }
0x5c: {  	_ =	shalt  }
0x5d: {  	_ =	shalt  }
0x5e: {  	_ =	shalt  }
0x5f: {  	_ =	shalt  }
0x60: {  	_ =	shalt  }
0x61: {  	_ =	shalt  }
0x62: {  	_ =	shalt  }
0x63: {  	_ =	shalt  }
0x64: {  	_ =	shalt  }
0x65: {  	_ =	shalt  }
0x66: {  	_ =	shalt  }
0x67: {  	_ =	shalt  }
0x68: {  	_ =	shalt  }
0x69: {  	_ =	shalt  }
0x6a: {  	_ =	shalt  }
0x6b: {  	_ =	shalt  }
0x6c: {  	_ =	shalt  }
0x6d: {  	_ =	shalt  }
0x6e: {  	_ =	shalt  }
0x6f: {  	_ =	shalt  }
0x70: {  	_ =	shalt  }
0x71: {  	_ =	shalt  }
0x72: {  	_ =	shalt  }
0x73: {  	_ =	shalt  }
0x74: {  	_ =	shalt  }
0x75: {  	_ =	shalt  }
0x76: {  	_ =	shalt  }
0x77: {  	_ =	shalt  }
0x78: {  	_ =	shalt  }
0x79: {  	_ =	shalt  }
0x7a: {  	_ =	shalt  }
0x7b: {  	_ =	shalt  }
0x7c: {  	_ =	shalt  }
0x7d: {  	_ =	shalt  }
0x7e: {  	_ =	shalt  }
0x7f: {  	_ =	shalt  }
0x80: {  	_ =	shalt  }
0x81: {  	_ =	shalt  }
0x82: {  	_ =	shalt  }
0x83: {  	_ =	shalt  }
0x84: {  	_ =	shalt  }
0x85: {  	_ =	shalt  }
0x86: {  	_ =	shalt  }
0x87: {  	_ =	shalt  }
.Lfunc_end0:
.L_simem_size_0:
called_computation.3_lowered:
.L_overlay_start_0:
0x88: {  	s2 =	sld [smem:$0x3FD9]  }
0x89: {  	s3 =	sld [smem:$0x3FFE];
	_ =	sdelay $0x1  }
0x8a: {  	s1 =	srdreg.scid  }
0x8b: {  	s0 =	sand.u32 $0x1, s1  }
0x8c: {  	s15 =	sshll.u32 s0, $0xA;
	s2 =	sadd.s32 s3, s2  }
0x8d: {  	s2 =	sadd.s32 s2, s15  }
0x8e: {  	[smem:$0x3FBA] =	sst s2  }
0x8f: {  	_ = 	snop  }
0x90: {  	s2 =	sld [smem:$0x3FD0];
	_ =	sdelay $0x3  }
0x91: {  	s4 =	simm.s32 $0xE;
	s16 =	simm.s32 $0x10;
	s2 =	sadd.s32 $0x1, s2  }
0x92: {  	[smem:s16], [sflag:s4] =	dma.local [hbm:s2], $0x1  }
0x93: {  	_ =	swait.eq [sflag:s4], $0x1  }
0x94: {  	[sflag:s4] =	ssyncset.done $0x0  }
0x95: {  	s17 =	sld [smem:$0x11];
	[sflag:s4] =	ssyncadd.s32 $0xFFFFFFFF  }
0x96: {  	s18 =	sld [smem:$0x13];
	(tm) =	ssettm $0x1  }
0x97: {  	s19 =	sld [smem:$0x3FFB];
	_ =	sdelay $0x3  }
0x98: {  	_ =	strace s19  }
0x99: {  	s2 =	sld [smem:$0x3FFC];
	_ =	sdelay $0x3  }
0x9a: {  	_ =	strace s2  }
0x9b: {  	s2 =	sld [smem:$0x3FFD];
	_ =	sdelay $0x3  }
0x9c: {  	_ =	strace s2  }
0x9d: {  	_ =	strace $0x8FFFFFFF  }
0x9e: {  	s20 =	sld [smem:$0x3FDB];
	_ =	sdelay $0x1  }
0x9f: {  	s5 =	simm.s32 $_scs_section_size  }
0xa0: {  	s6 =	simm.s32 $_size__tile_overlayer_lowered;
	s7 =	simm.s32 $_tile_overlayer_lowered  }
0xa1: {  	s8 =	simm.s32 $0x1BFF;
	s21 =	sshll.u32 s7, $0x1;
	s5 =	sadd.s32 s5, s20  }
0xa2: {  	s22 =	simm.s32 $0x0;
	s6 =	sshll.u32 s6, $0x1;
	s7 =	sadd.s32 s21, s5  }
0xa3: {  	[timem:s22], [sflag:s8] =	dma.local [hbm:s7], s6  }
0xa4: {  	_ =	swait.ge [sflag:s8], s6  }
0xa5: {  	s6 =	ssub.s32 $0x0, s6;
	[sflag:s8] =	ssyncset.done $0x0  }
0xa6: {  	[sflag:s8] =	ssyncadd.s32 s6;
	_ =	sdelay $0x1  }
0xa7: {  	s23 =	simm.s32 $0x1B8B  }
0xa8: {  	_ =	swait.ge [sflag:s23], $0x1  }
0xa9: {  	[sflag:s23] =	ssyncset.done $0x0  }
0xaa: {  	[sflag:s23] =	ssyncadd.s32 $0xFFFFFFFF  }
0xab: {  	s6 =	sld [smem:$0x0]  }
0xac: {  	s7 =	sand.u32 $0xFFFFFFFE, s1  }
0xad: {  	p0 =	sne.s32 s1, s7  }
0xae: {  	s7 =	sshll.u32 @p0 s7, $0xE  }
0xaf: {  	s7 =	sadd.s32 @p0 $0x11B8D, s7;
	s8 =	sshll.u32 @p0 s6, $0x11  }
0xb0: {  	s7 =	sor.u32 @p0 s8, s7  }
0xb1: {  	[sflag:s7] =	ssyncadd.remote.s32 @p0 $0x1;
	_ =	sdelay $0x1  }
0xb2: {  	s7 =	simm.s32 @p0 $0x1B8D  }
0xb3: {  	_ =	swait.eq @p0 [sflag:s7], $0x1  }
0xb4: {  	[sflag:s7] =	ssyncadd.s32 @p0 $0xFFFFFFFF  }
0xb5: {  	s8 =	sshll.u32 @!p0 s1, $0xE  }
0xb6: {  	s8 =	sor.u32 @!p0 $0x4000, s8;
	s7 =	simm.s32 @!p0 $0x1B8D  }
0xb7: {  	s6 =	sshll.u32 @!p0 s6, $0x11;
	s8 =	sadd.s32 @!p0 $0x11B8D, s8;
	_ =	swait.eq @!p0 [sflag:s7], $0x1  }
0xb8: {  	s6 =	sor.u32 @!p0 s6, s8;
	[sflag:s7] =	ssyncadd.s32 @!p0 $0xFFFFFFFF  }
0xb9: {  	s25 =	simm.s32 $0x1B8E;
	s24 =	sld [smem:$0x3FFE];
	[sflag:s6] =	ssyncadd.remote.s32 @!p0 $0x1  }
0xba: {  	s26 =	simm.s32 $execute0_lowered;
	[smem:$0x3FD2] =	sst s25  }
0xbb: {  	s7 =	sshll.u32 s26, $0x1;
	_ =	strace $0x80000049;
	[dreg:$0x1] =	wrdreg $0xFFFFFFFF  }
0xbc: {  	s28 =	simm.s32 $_size_execute0_lowered;
	s5 =	sadd.s32 s5, s7;
	[dreg:$0x0] =	wrdreg $0x0  }
0xbd: {  	s7 =	sshll.u32 s28, $0x1;
	[dreg:$0x2] =	wrdreg s5  }
0xbe: {  	[dreg:$0x3] =	wrdreg s7  }
0xbf: {  	[dreg:$0x4] =	wrdreg $0xC0  }
0xc0: {  	_ =	task [dreg:s22], $0x5FFFF  }
0xc1: {  	[dreg:$0x1] =	wrdreg $0xFFFFFFFF  }
0xc2: {  	[dreg:$0x0] =	wrdreg $0x60  }
0xc3: {  	[dreg:$0x2] =	wrdreg s24  }
0xc4: {  	[dreg:$0x3] =	wrdreg s18  }
0xc5: {  	[dreg:$0x4] =	wrdreg s17  }
0xc6: {  	[dreg:$0x5] =	wrdreg $0xC  }
0xc7: {  	_ =	task.clear_ibuf [dreg:s22], $0x6FFFF;
	_ =	strace $0x90000049  }
0xc8: {  	s29 =	simm.s32 $0xC;
	_ =	strace $0x8000004B  }
0xc9: {  	_ =	swait.ge [sflag:s29], $0x1  }
0xca: {  	[sflag:s29] =	ssyncadd.s32 $0xFFFFFFFF  }
0xcb: {  	_ =	strace $0x9000004B  }
0xcc: {  	_ =	sfence  }
0xcd: {  	s30 =	sld [smem:$0x0];
	_ =	sdelay $0x2  }
0xce: {  	s31 =	sshll.u32 s1, $0xD;
	s1 =	sshrl.u32 s1, $0x2  }
0xcf: {  	s4 =	sand.u32 $0x4000, s31;
	s1 =	sadd.s32 s1, s30  }
0xd0: {  	s0 =	sor.u32 s4, s0;
	s1 =	sshll.u32 s1, $0x11  }
0xd1: {  	s0 =	sor.u32 s1, s0  }
0xd2: {  	s0 =	sadd.s32 $0x8F2B, s0  }
0xd3: {  	[sflag:s0] =	ssyncadd.remote.s32 $0x1  }
0xd4: {  	_ =	sfence.sel $0xFFFF  }
0xd5: {  	[dreg:$0x0] =	wrdreg $0xFFFFFFFF;
	(pc) =	sbr.abs _section_cstart, $3  }
0xd6: {  	[dreg:$0x1] =	wrdreg $0xFFFFFFFF  }
0xd7: {  	_ =	task.clear_ibuf [dreg:s22], $0x2FFFF;
	_ =	strace $0x9FFFFFFF  }
0xd8: {  	(tm) =	ssettm $0x7FFFFFFF  }
0xd9: {  	_ =	shalt  }
tec
execute0_lowered:
.L_overlay_start_1:
0x0: {  	(tag) =	ssettag $0x1  }
0x1: {  	s1 =	srdreg.scid;
	s8 =	rddreg [dreg:$0x0]  }
0x2: {  	s0 =	stileid.u32;
	s2 =	rddreg [dreg:$0x1]  }
0x3: {  	s3 =	rddreg [dreg:$0x2];
	s5 =	simm.s32 $0x1;
	s1 =	sshll.u32 s1, $0x5  }
0x4: {  	s9 =	simm.s32 $0x1;
	s4 =	sshll.u32 s0, $0x6;
	s1 =	sand.u32 $0x20, s1  }
0x5: {  	s10 =	simm.s32 $0x3;
	s13 =	simm.s32 $0x0;
	s4 =	sor.u32 s4, s1  }
0x6: {  	s12 =	simm.s32 $0x0;
	s1 =	rddreg [dreg:$0x3];
	s7 =	ssub.s32 $0x800, s4  }
.Ltmp0:
0x7: {  	_ =	strace $0x8000004A;
	s6 =	sand.u32 $0x3E0, s7;
	(pc) =	sbr.rel .LBB2_1-.Ltmp0, $4  }
0x8: {  	s8 =	sadd.s32 $0x20A00, s8;
	[sflag:s5] =	ssyncpa.u1 $0x0;
	p0 =	sne.s32 s6, $0x0  }
0x9: {  	s7 =	sshrl.u32 s7, $0xA;
	s6 =	simm.s32 $0x2;
	s9 =	simm.s32 @!p0 $0x0  }
0xa: {  	s11 =	smov.u32 s4;
	[sflag:s6] =	ssyncpa.u1 $0x0;
	s7 =	sadd.s32 s9, s7  }
0xb: {  	vm0 =	vmmov $0xffff;
	[sflag:s10] =	ssyncpa.u1 $0x0;
	s10 =	simm.s32 $0x0;
	s9 =	sadd.s32 $0x1, s7  }
.LBB2_5:
0xc: {  	s15 =	sadd.s32 $0x400, s11  }
0xd: {  	p1 =	sgt.s32 s15, $0x7FF  }
0xe: {  	s15 =	smov.u32 @p1 s4;
	p1 =	sne.s32 s12, s9  }
.Ltmp1:
0xf: {  	p0 =	slt.u32 s12, $0x2;
	(pc) =	sbr.rel @!p1 .LBB2_6-.Ltmp1, $4  }
0x10: {  	s14 =	simm.s32 @!p0 $0x3  }
0x11: {  	_ =	swait.ge @!p0 [sflag:s14], $0x20  }
0x12: {  	s16 =	sadd.s32 $0x1, s12;
	s13 =	smov.u32 s11;
	[sflag:s14] =	ssyncset.done @!p0 $0x0  }
0x13: {  	s12 =	smov.u32 s16;
	s11 =	smov.u32 s15;
	[sflag:s14] =	ssyncadd.s32 @!p0 $0xFFFFFFE0  }
.LBB2_1:
0x14: {  	p0 =	sge.u32 s12, s7  }
0x15: {  	s14 =	sxor.u32 @!p0 $0xFFFFFFFF, s12  }
0x16: {  	s31 =	sadd.s32 $0xFFFFFFFF, s12;
	s15 =	sshrl.u32 @!p0 s11, $0x3;
	s14 =	sshll.u32 @!p0 s14, $0x5  }
0x17: {  	s16 =	sand.u32 @!p0 $0x7, s11;
	s15 =	sadd.s32 @!p0 s2, s15;
	s14 =	sand.u32 @!p0 $0x20, s14  }
0x18: {  	[tilespmem:s14], [sflag:$0x2] =	stream.linear.gather @!p0 [hbm4b:s15+s16], $0x20, $0x38;
	[tilespmem:$0x80] =	vst v63  }
0x19: {  	p0 =	sge.u32 s31, s7  }
.Ltmp2:
0x1a: {  	_ = 	snop;
	(pc) =	sbr.rel @p0 .LBB2_5-.Ltmp2, $1  }
0x1b: {  	_ =	sdelay $0x3  }
0x1c: {  	_ =	swait.ge [sflag:s6], $0x20;
	s14 =	sshll.u32 s12, $0x5;
	s16 =	simm.s32 $0x0  }
0x1d: {  	p0 =	por $0x1, $0x1;
	[sflag:s6] =	ssyncset.done $0x0;
	s15 =	sand.u32 $0x20, s14  }
0x1e: {  	[sflag:s6] =	ssyncadd.s32 $0xFFFFFFE0;
	(ifvalue) =	ssetifvalue $0x7FFFFFFF;
	s14 =	sor.u32 $0x40, s15  }
.LBB2_3:
0x1f: {  	s17 =	sadd.s32 s16, s15  }
0x20: {  	v0 =	vld.msk [tilespmem:s17+$0x0 ss:$0x1], $0xffff;
	_ =	sdelay $0x4  }
0x21: {  	v1 =	vshrl.u32 v0, $0x2  }
0x22: {  	vm1 =	veq.s32 v0, $0x80000000;
	v1 =	vand.u32 $0x3FFF, v1  }
0x23: {  	v0 =	vand.u32 $0x3, v0;
	v1 =	vsel vm1, $0xFFFFFFFF, v1  }
0x24: {  	v0 =	vsel vm1, $0xFFFFFFFF, v0;
	v2 =	vshll.u32 v1, $0x2  }
0x25: {  	v3 =	vand.u32 $0xFFFF0000, v0;
	v0 =	vshll.u32 v0, $0x7;
	v2 =	vand.u32 $0xFFFFFE00, v2  }
0x26: {  	v0 =	vand.u32 $0x180, v0;
	v2 =	vadd.s32 v3, v2  }
0x27: {  	v1 =	vand.u32 $0x7F, v1;
	v0 =	vor.u32 v0, v2  }
0x28: {  	p1 =	por p0, p0;
	v0 =	vor.u32 v1, v0  }
.Ltmp3:
0x29: {  	_ = 	snop;
	(pc) =	sbr.rel @p1 .LBB2_3-.Ltmp3, $4  }
0x2a: {  	_ = 	snop  }
0x2b: {  	s31 =	sadd.s32 s16, s14  }
0x2c: {  	s16 =	simm.s32 $0x10;
	p0 =	por $0x0, $0x0;
	(ifvalue) =	ssetifvalue $0x7FFFFFFF  }
0x2d: {  	[tilespmem:s31], [sflag:$0x1] =	stream.indirect_vreg.gather [hbm4b:s8+s10], $0x1, v0, vm0, $0x4038;
	[tilespmem:$0x80] =	vst v63  }
.Ltmp4:
0x2e: {  	(pc) =	sbr.rel .LBB2_5-.Ltmp4, $4  }
0x2f: {  	_ =	swait.ge [sflag:s5], $0x20  }
0x30: {  	s15 =	sshrl.u32 s13, $0x3;
	[sflag:s5] =	ssyncset.done $0x0  }
0x31: {  	s31 =	sand.u32 $0x7, s13;
	s15 =	sadd.s32 s3, s15;
	[sflag:s5] =	ssyncadd.s32 $0xFFFFFFE0  }
0x32: {  	[hbm4b:s15+s31] =	stream.linear.scatter [tilespmem:s14], [sflag:$0x3], $0x20, $0x38;
	[tilespmem:$0x80] =	vst v63  }
.LBB2_6:
0x33: {  	_ =	sfence.sel $0x180000  }
0x34: {  	s2 =	simm.s32 $0x2;
	[bflag:$0x0] =	sbarrier.arrive $0xFFFF  }
0x35: {  	s30 =	simm.s32 $0x3;
	[sflag:s2] =	ssyncpa.u1 $0x1  }
0x36: {  	s31 =	simm.s32 $0x1;
	[sflag:s30] =	ssyncpa.u1 $0x1  }
0x37: {  	[sflag:s31] =	ssyncpa.u1 $0x1  }
0x38: {  	p0 =	sne.s32 s0, $0x0;
	_ =	strace $0x9000004A  }
0x39: {  	s0 =	sadd.s32 @!p0 $0x100000, s1;
	[bflag:$0x2] =	sbarrier.arrive $0xFFFF  }
0x3a: {  	[sflag:s0] =	ssyncadd.tile.s32 @!p0 $0x1;
	_ =	shalt  }
.Lfunc_end2:
_tile_overlayer_lowered:
.L_overlay_start_2:
0x3b: {  	(tag) =	ssettag $0x2  }
0x3c: {  	s0 =	rddreg [dreg:$0x0];
	s2 =	stileid.u32  }
0x3d: {  	s1 =	rddreg [dreg:$0x1];
	p0 =	sne.s32 s2, $0x0  }
0x3e: {  	s3 =	rddreg [dreg:$0x2];
	[bflag:$0x3] =	sbarrier.arrive $0xFFFF;
	s2 =	simm.s32 @!p0 $0x1C01  }
0x3f: {  	[timem:s3], [sflag:s2] =	dma.local @!p0 [hbm:s0], s1  }
0x40: {  	s0 =	simm.s32 @!p0 $0x1  }
0x41: {  	_ =	swait.ge @!p0 [sflag:s0], s1  }
0x42: {  	s1 =	ssub.s32 @!p0 $0x0, s1;
	[sflag:s0] =	ssyncset.done @!p0 $0x0  }
0x43: {  	[sflag:s0] =	ssyncadd.s32 @!p0 s1  }
0x44: {  	[bflag:$0x3] =	sbarrier.arrive $0xFFFF  }
0x45: {  	_ =	shalt  }

// kernel: gather_offload_async_start
scs
__scs_entry_jumppad:
0x0: {  	(pc) =	sbr.rel $0x88, $3  }
0x1: {  	(tag) =	ssettag $0x0;
	lr =	simm.s32 $0x1  }
0x2: {  	[smem:$0x3F93] =	sst lr;
	_ =	strace $0xD0000000  }
0x3: {  	_ = 	snop  }
0x4: {  	_ = 	snop  }
0x5: {  	_ = 	snop  }
0x6: {  	_ = 	snop  }
0x7: {  	_ = 	snop  }
__scs_overlays_trampoline_lowered:
0x8: {  	[smem:$0x3FA2] =	sst s0  }
0x9: {  	[smem:$0x3FA3] =	sst s1  }
0xa: {  	[smem:$0x3FA4] =	sst s2  }
0xb: {  	[smem:$0x3FA5] =	sst s3  }
0xc: {  	[smem:$0x3FA6] =	sst s4  }
0xd: {  	[smem:$0x3FA7] =	sst s5  }
0xe: {  	[smem:$0x3FA8] =	sst s6  }
0xf: {  	[smem:$0x3FA9] =	sst s7  }
0x10: {  	[smem:$0x3FAA] =	sst s8  }
0x11: {  	[smem:$0x3FAB] =	sst s9;
	s0 =	simm.s32 @!p0 $0x0  }
0x12: {  	s1 =	sld [smem:$0x3F91];
	s0 =	simm.s32 @p0 $0x1  }
0x13: {  	[smem:$0x3FAC] =	sst s0;
	s0 =	simm.s32 @!p1 $0x0  }
0x14: {  	s2 =	sld [smem:$0x3F90];
	s0 =	simm.s32 @p1 $0x1  }
0x15: {  	[smem:$0x3FAD] =	sst s0;
	s0 =	simm.s32 @!p2 $0x0  }
0x16: {  	s3 =	sld [smem:$0x3FDB];
	s0 =	simm.s32 @p2 $0x1  }
0x17: {  	s4 =	simm.s32 $0x1BF5;
	[smem:$0x3FAF] =	sst s0  }
0x18: {  	s0 =	sld [smem:$0x3F92];
	_ =	swait.ge [sflag:s4], $0x0  }
0x19: {  	s7 =	sld [smem:$0x3F93]  }
0x1a: {  	s8 =	sadd.s32 $0xFFFFE003, lr  }
0x1b: {  	s9 =	sadd.s32 $0xFFFFFEF7, lr;
	s5 =	simm.s32 $0xFFFFFFFF;
	p2 =	slt.u32 s8, $0xFFFFF086  }
0x1c: {  	p1 =	slt.u32 s9, $0xF7A;
	s5 =	simm.s32 @!p2 $0x0  }
0x1d: {  	s5 =	simm.s32 @p1 $0x1;
	p0 =	seq.s32 s7, s2  }
0x1e: {  	s7 =	smul.u32 @!p0 $0xF7A, s2;
	p2 =	seq.s32 @!p0 s5, $0x0  }
0x1f: {  	s9 =	smul.u32 $0xF7A, s1;
	s8 =	simm.s32 @!p0 $0x1BF5;
	p2 =	por !p2, p0  }
0x20: {  	[sflag:s8] =	ssyncset.s32 @!p0 $0xFFFFF086;
	s6 =	sadd.s32 @!p0 s3, s7;
	s7 =	simm.s32 @!p0 $0x108  }
0x21: {  	s3 =	sadd.s32 s3, s9;
	s6 =	sadd.s32 @!p0 $0x88, s6;
	s7 =	simm.s32 @p2 $0x1082  }
0x22: {  	[simem:s7], [sflag:s8] =	dma.local @!p0 [hbm:s6], $0xF7A  }
0x23: {  	s9 =	sor.u32 $0xD0000000, s2;
	s6 =	simm.s32 $0x108;
	_ =	swait.ge @!p0 [sflag:s8], $0x0  }
0x24: {  	s3 =	sadd.s32 $0x88, s3;
	s6 =	simm.s32 @!p1 $0x1082;
	[sflag:s4] =	ssyncset.s32 $0xFFFFF086  }
0x25: {  	[simem:s6], [sflag:s4] =	dma.local [hbm:s3], $0xF7A  }
0x26: {  	[smem:$0x3F93] =	sst s1;
	(tag) =	ssettag s2;
	_ =	strace s9  }
0x27: {  	s1 =	sld [smem:$0x3FA3]  }
0x28: {  	s2 =	sld [smem:$0x3FA4]  }
0x29: {  	s4 =	sld [smem:$0x3FA6]  }
0x2a: {  	p0 =	seq.s32 s5, $0x0;
	s5 =	sld [smem:$0x3FA7]  }
0x2b: {  	s6 =	sld [smem:$0x3FA8]  }
0x2c: {  	s7 =	sld [smem:$0x3FA9]  }
0x2d: {  	s3 =	simm.s32 $0x108;
	s8 =	sld [smem:$0x3FAA]  }
0x2e: {  	s3 =	simm.s32 @!p0 $0x1082;
	s9 =	sld [smem:$0x3FAB]  }
0x2f: {  	lr =	sadd.s32 s0, s3;
	s0 =	sld [smem:$0x3FA2]  }
0x30: {  	s3 =	sld [smem:$0x3FA5]  }
0x31: {  	[smem:$0x3FAE] =	sst s10  }
0x32: {  	s10 =	sld [smem:$0x3FAC];
	_ =	sdelay $0x3  }
0x33: {  	p0 =	seq.s32 s10, $0x1;
	s10 =	sld [smem:$0x3FAE];
	_ =	sdelay $0x3  }
0x34: {  	[smem:$0x3FAE] =	sst s10  }
0x35: {  	s10 =	sld [smem:$0x3FAD];
	_ =	sdelay $0x3  }
0x36: {  	p1 =	seq.s32 s10, $0x1;
	s10 =	sld [smem:$0x3FAE];
	_ =	sdelay $0x3  }
0x37: {  	[smem:$0x3FAE] =	sst s10  }
0x38: {  	s10 =	sld [smem:$0x3FAF]  }
0x39: {  	_ = 	snop;
	(pc) =	sbr.ind lr, $3  }
0x3a: {  	_ = 	snop  }
0x3b: {  	_ = 	snop  }
0x3c: {  	p2 =	seq.s32 s10, $0x1;
	s10 =	sld [smem:$0x3FAE]  }
0x3d: {  	_ =	shalt  }
0x3e: {  	_ =	shalt  }
0x3f: {  	_ =	shalt  }
0x40: {  	_ =	shalt  }
0x41: {  	_ =	shalt  }
0x42: {  	_ =	shalt  }
0x43: {  	_ =	shalt  }
0x44: {  	_ =	shalt  }
0x45: {  	_ =	shalt  }
0x46: {  	_ =	shalt  }
0x47: {  	_ =	shalt  }
0x48: {  	_ =	shalt  }
0x49: {  	_ =	shalt  }
0x4a: {  	_ =	shalt  }
0x4b: {  	_ =	shalt  }
0x4c: {  	_ =	shalt  }
0x4d: {  	_ =	shalt  }
0x4e: {  	_ =	shalt  }
0x4f: {  	_ =	shalt  }
0x50: {  	_ =	shalt  }
0x51: {  	_ =	shalt  }
0x52: {  	_ =	shalt  }
0x53: {  	_ =	shalt  }
0x54: {  	_ =	shalt  }
0x55: {  	_ =	shalt  }
0x56: {  	_ =	shalt  }
0x57: {  	_ =	shalt  }
0x58: {  	_ =	shalt  }
0x59: {  	_ =	shalt  }
0x5a: {  	_ =	shalt  }
0x5b: {  	_ =	shalt  }
0x5c: {  	_ =	shalt  }
0x5d: {  	_ =	shalt  }
0x5e: {  	_ =	shalt  }
0x5f: {  	_ =	shalt  }
0x60: {  	_ =	shalt  }
0x61: {  	_ =	shalt  }
0x62: {  	_ =	shalt  }
0x63: {  	_ =	shalt  }
0x64: {  	_ =	shalt  }
0x65: {  	_ =	shalt  }
0x66: {  	_ =	shalt  }
0x67: {  	_ =	shalt  }
0x68: {  	_ =	shalt  }
0x69: {  	_ =	shalt  }
0x6a: {  	_ =	shalt  }
0x6b: {  	_ =	shalt  }
0x6c: {  	_ =	shalt  }
0x6d: {  	_ =	shalt  }
0x6e: {  	_ =	shalt  }
0x6f: {  	_ =	shalt  }
0x70: {  	_ =	shalt  }
0x71: {  	_ =	shalt  }
0x72: {  	_ =	shalt  }
0x73: {  	_ =	shalt  }
0x74: {  	_ =	shalt  }
0x75: {  	_ =	shalt  }
0x76: {  	_ =	shalt  }
0x77: {  	_ =	shalt  }
0x78: {  	_ =	shalt  }
0x79: {  	_ =	shalt  }
0x7a: {  	_ =	shalt  }
0x7b: {  	_ =	shalt  }
0x7c: {  	_ =	shalt  }
0x7d: {  	_ =	shalt  }
0x7e: {  	_ =	shalt  }
0x7f: {  	_ =	shalt  }
0x80: {  	_ =	shalt  }
0x81: {  	_ =	shalt  }
0x82: {  	_ =	shalt  }
0x83: {  	_ =	shalt  }
0x84: {  	_ =	shalt  }
0x85: {  	_ =	shalt  }
0x86: {  	_ =	shalt  }
0x87: {  	_ =	shalt  }
.Lfunc_end0:
.L_simem_size_0:
called_computation_lowered:
.L_overlay_start_0:
0x88: {  	s2 =	sld [smem:$0x3FD9]  }
0x89: {  	s3 =	sld [smem:$0x3FFE];
	_ =	sdelay $0x1  }
0x8a: {  	s1 =	srdreg.scid  }
0x8b: {  	s0 =	sand.u32 $0x1, s1  }
0x8c: {  	s14 =	sshll.u32 s0, $0xA;
	s2 =	sadd.s32 s3, s2  }
0x8d: {  	s2 =	sadd.s32 s2, s14  }
0x8e: {  	[smem:$0x3FBA] =	sst s2  }
0x8f: {  	_ = 	snop  }
0x90: {  	s2 =	sld [smem:$0x3FD0];
	_ =	sdelay $0x2  }
0x91: {  	s15 =	simm.s32 $0xE;
	s4 =	simm.s32 $0x10  }
0x92: {  	[smem:s4], [sflag:s15] =	dma.local [hbm:s2], $0x1  }
0x93: {  	_ =	swait.eq [sflag:s15], $0x1  }
0x94: {  	[sflag:s15] =	ssyncset.done $0x0  }
0x95: {  	[sflag:s15] =	ssyncadd.s32 $0xFFFFFFFF  }
0x96: {  	s2 =	sadd.s32 $0x1, s2;
	s5 =	sld [smem:$0x17]  }
0x97: {  	[smem:s4], [sflag:s15] =	dma.local [hbm:s2], $0x1  }
0x98: {  	_ =	swait.eq [sflag:s15], $0x1  }
0x99: {  	[sflag:s15] =	ssyncset.done $0x0  }
0x9a: {  	[sflag:s15] =	ssyncadd.s32 $0xFFFFFFFF  }
0x9b: {  	s16 =	sld [smem:$0x13];
	(tm) =	ssettm $0x1  }
0x9c: {  	s17 =	sld [smem:$0x3FFB];
	_ =	sdelay $0x3  }
0x9d: {  	_ =	strace s17  }
0x9e: {  	s3 =	sld [smem:$0x3FFC];
	_ =	sdelay $0x3  }
0x9f: {  	_ =	strace s3  }
0xa0: {  	s3 =	sld [smem:$0x3FFD];
	_ =	sdelay $0x3  }
0xa1: {  	_ =	strace s3  }
0xa2: {  	_ =	strace $0x8FFFFFFF  }
0xa3: {  	s18 =	sld [smem:$0x3FDB];
	_ =	sdelay $0x1  }
0xa4: {  	s19 =	simm.s32 $_scs_section_size  }
0xa5: {  	s6 =	simm.s32 $_size__tile_overlayer_lowered;
	s7 =	simm.s32 $_tile_overlayer_lowered  }
0xa6: {  	s22 =	simm.s32 $0x1BFF;
	s21 =	sshll.u32 s7, $0x1;
	s3 =	sadd.s32 s19, s18  }
0xa7: {  	s8 =	simm.s32 $0x0;
	s20 =	sshll.u32 s6, $0x1;
	s6 =	sadd.s32 s21, s3  }
0xa8: {  	[timem:s8], [sflag:s22] =	dma.local [hbm:s6], s20  }
0xa9: {  	_ =	swait.ge [sflag:s22], s20  }
0xaa: {  	s4 =	ssub.s32 $0x0, s20;
	[sflag:s22] =	ssyncset.done $0x0  }
0xab: {  	[sflag:s22] =	ssyncadd.s32 s4;
	_ =	sdelay $0x1  }
0xac: {  	s23 =	simm.s32 $0x1B8B  }
0xad: {  	_ =	swait.ge [sflag:s23], $0x1  }
0xae: {  	[sflag:s23] =	ssyncset.done $0x0  }
0xaf: {  	s25 =	simm.s32 $0x1B8E;
	s24 =	sld [smem:$0x3FFE];
	[sflag:s23] =	ssyncadd.s32 $0xFFFFFFFF  }
0xb0: {  	s26 =	simm.s32 $execute0_lowered;
	[smem:$0x3FD2] =	sst s25  }
0xb1: {  	s6 =	sshll.u32 s26, $0x1;
	_ =	strace $0x80000046;
	[dreg:$0x1] =	wrdreg $0xFFFFFFFF  }
0xb2: {  	s28 =	simm.s32 $_size_execute0_lowered;
	s3 =	sadd.s32 s3, s6;
	[dreg:$0x0] =	wrdreg $0x0  }
0xb3: {  	s6 =	sshll.u32 s28, $0x1;
	[dreg:$0x2] =	wrdreg s3  }
0xb4: {  	[dreg:$0x3] =	wrdreg s6  }
0xb5: {  	[dreg:$0x4] =	wrdreg $0xC0  }
0xb6: {  	_ =	task [dreg:s8], $0x5FFFF  }
0xb7: {  	[dreg:$0x1] =	wrdreg $0xFFFFFFFF  }
0xb8: {  	[dreg:$0x0] =	wrdreg $0x60  }
0xb9: {  	[dreg:$0x2] =	wrdreg s24  }
0xba: {  	[dreg:$0x3] =	wrdreg s16  }
0xbb: {  	[dreg:$0x4] =	wrdreg s5  }
0xbc: {  	[dreg:$0x5] =	wrdreg $0x9  }
0xbd: {  	_ =	task.clear_ibuf [dreg:s8], $0x6FFFF;
	_ =	strace $0x90000046  }
0xbe: {  	s29 =	simm.s32 $0x9;
	_ =	strace $0x80000048  }
0xbf: {  	_ =	swait.ge [sflag:s29], $0x1  }
0xc0: {  	[sflag:s29] =	ssyncadd.s32 $0xFFFFFFFF  }
0xc1: {  	_ =	strace $0x90000048  }
0xc2: {  	_ =	sfence  }
0xc3: {  	s30 =	sld [smem:$0x0];
	_ =	sdelay $0x2  }
0xc4: {  	s31 =	sshll.u32 s1, $0xD;
	s1 =	sshrl.u32 s1, $0x2  }
0xc5: {  	s3 =	sand.u32 $0x4000, s31;
	s1 =	sadd.s32 s1, s30  }
0xc6: {  	s0 =	sor.u32 s3, s0;
	s1 =	sshll.u32 s1, $0x11  }
0xc7: {  	s0 =	sor.u32 s1, s0  }
0xc8: {  	s0 =	sadd.s32 $0x8F2B, s0  }
0xc9: {  	[sflag:s0] =	ssyncadd.remote.s32 $0x1  }
0xca: {  	_ =	sfence.sel $0xFFFF  }
0xcb: {  	[dreg:$0x0] =	wrdreg $0xFFFFFFFF;
	(pc) =	sbr.abs _section_cstart, $3  }
0xcc: {  	[dreg:$0x1] =	wrdreg $0xFFFFFFFF  }
0xcd: {  	_ =	task.clear_ibuf [dreg:s8], $0x2FFFF;
	_ =	strace $0x9FFFFFFF  }
0xce: {  	(tm) =	ssettm $0x7FFFFFFF  }
0xcf: {  	_ =	shalt  }
tec
execute0_lowered:
.L_overlay_start_1:
0x0: {  	(tag) =	ssettag $0x1  }
0x1: {  	s1 =	srdreg.scid;
	s8 =	rddreg [dreg:$0x0]  }
0x2: {  	s0 =	stileid.u32;
	s2 =	rddreg [dreg:$0x1]  }
0x3: {  	s3 =	rddreg [dreg:$0x2];
	s5 =	simm.s32 $0x1;
	s1 =	sshll.u32 s1, $0x5  }
0x4: {  	s9 =	simm.s32 $0x1;
	s4 =	sshll.u32 s0, $0x6;
	s1 =	sand.u32 $0x20, s1  }
0x5: {  	s10 =	simm.s32 $0x3;
	s13 =	simm.s32 $0x0;
	s4 =	sor.u32 s4, s1  }
0x6: {  	s12 =	simm.s32 $0x0;
	s1 =	rddreg [dreg:$0x3];
	s7 =	ssub.s32 $0x800, s4  }
.Ltmp0:
0x7: {  	_ =	strace $0x80000047;
	s6 =	sand.u32 $0x3E0, s7;
	(pc) =	sbr.rel .LBB2_1-.Ltmp0, $4  }
0x8: {  	s8 =	sadd.s32 $0xA00, s8;
	[sflag:s5] =	ssyncpa.u1 $0x0;
	p0 =	sne.s32 s6, $0x0  }
0x9: {  	s7 =	sshrl.u32 s7, $0xA;
	s6 =	simm.s32 $0x2;
	s9 =	simm.s32 @!p0 $0x0  }
0xa: {  	s11 =	smov.u32 s4;
	[sflag:s6] =	ssyncpa.u1 $0x0;
	s7 =	sadd.s32 s9, s7  }
0xb: {  	vm0 =	vmmov $0xffff;
	[sflag:s10] =	ssyncpa.u1 $0x0;
	s10 =	simm.s32 $0x0;
	s9 =	sadd.s32 $0x1, s7  }
.LBB2_5:
0xc: {  	s15 =	sadd.s32 $0x400, s11  }
0xd: {  	p1 =	sgt.s32 s15, $0x7FF  }
0xe: {  	s15 =	smov.u32 @p1 s4;
	p1 =	sne.s32 s12, s9  }
.Ltmp1:
0xf: {  	p0 =	slt.u32 s12, $0x2;
	(pc) =	sbr.rel @!p1 .LBB2_6-.Ltmp1, $4  }
0x10: {  	s14 =	simm.s32 @!p0 $0x3  }
0x11: {  	_ =	swait.ge @!p0 [sflag:s14], $0x20  }
0x12: {  	s16 =	sadd.s32 $0x1, s12;
	s13 =	smov.u32 s11;
	[sflag:s14] =	ssyncset.done @!p0 $0x0  }
0x13: {  	s12 =	smov.u32 s16;
	s11 =	smov.u32 s15;
	[sflag:s14] =	ssyncadd.s32 @!p0 $0xFFFFFFE0  }
.LBB2_1:
0x14: {  	p0 =	sge.u32 s12, s7  }
0x15: {  	s14 =	sxor.u32 @!p0 $0xFFFFFFFF, s12  }
0x16: {  	s31 =	sadd.s32 $0xFFFFFFFF, s12;
	s15 =	sshrl.u32 @!p0 s11, $0x3;
	s14 =	sshll.u32 @!p0 s14, $0x5  }
0x17: {  	s16 =	sand.u32 @!p0 $0x7, s11;
	s15 =	sadd.s32 @!p0 s2, s15;
	s14 =	sand.u32 @!p0 $0x20, s14  }
0x18: {  	[tilespmem:s14], [sflag:$0x2] =	stream.linear.gather @!p0 [hbm4b:s15+s16], $0x20, $0x38;
	[tilespmem:$0x80] =	vst v63  }
0x19: {  	p0 =	sge.u32 s31, s7  }
.Ltmp2:
0x1a: {  	_ = 	snop;
	(pc) =	sbr.rel @p0 .LBB2_5-.Ltmp2, $1  }
0x1b: {  	_ =	sdelay $0x3  }
0x1c: {  	_ =	swait.ge [sflag:s6], $0x20;
	s14 =	sshll.u32 s12, $0x5;
	s16 =	simm.s32 $0x0  }
0x1d: {  	p0 =	por $0x1, $0x1;
	[sflag:s6] =	ssyncset.done $0x0;
	s15 =	sand.u32 $0x20, s14  }
0x1e: {  	[sflag:s6] =	ssyncadd.s32 $0xFFFFFFE0;
	(ifvalue) =	ssetifvalue $0x7FFFFFFF;
	s14 =	sor.u32 $0x40, s15  }
.LBB2_3:
0x1f: {  	s17 =	sadd.s32 s16, s15  }
0x20: {  	v0 =	vld.msk [tilespmem:s17+$0x0 ss:$0x1], $0xffff;
	_ =	sdelay $0x4  }
0x21: {  	v1 =	vshrl.u32 v0, $0x2  }
0x22: {  	vm1 =	veq.s32 v0, $0x80000000;
	v1 =	vand.u32 $0x3FFF, v1  }
0x23: {  	v0 =	vand.u32 $0x3, v0;
	v1 =	vsel vm1, $0xFFFFFFFF, v1  }
0x24: {  	v0 =	vsel vm1, $0xFFFFFFFF, v0;
	v2 =	vshll.u32 v1, $0x2  }
0x25: {  	v3 =	vand.u32 $0xFFFF0000, v0;
	v0 =	vshll.u32 v0, $0x7;
	v2 =	vand.u32 $0xFFFFFE00, v2  }
0x26: {  	v0 =	vand.u32 $0x180, v0;
	v2 =	vadd.s32 v3, v2  }
0x27: {  	v1 =	vand.u32 $0x7F, v1;
	v0 =	vor.u32 v0, v2  }
0x28: {  	p1 =	por p0, p0;
	v0 =	vor.u32 v1, v0  }
.Ltmp3:
0x29: {  	_ = 	snop;
	(pc) =	sbr.rel @p1 .LBB2_3-.Ltmp3, $4  }
0x2a: {  	_ = 	snop  }
0x2b: {  	s31 =	sadd.s32 s16, s14  }
0x2c: {  	s16 =	simm.s32 $0x10;
	p0 =	por $0x0, $0x0;
	(ifvalue) =	ssetifvalue $0x7FFFFFFF  }
0x2d: {  	[tilespmem:s31], [sflag:$0x1] =	stream.indirect_vreg.gather [hbm4b:s8+s10], $0x1, v0, vm0, $0x4038;
	[tilespmem:$0x80] =	vst v63  }
.Ltmp4:
0x2e: {  	(pc) =	sbr.rel .LBB2_5-.Ltmp4, $4  }
0x2f: {  	_ =	swait.ge [sflag:s5], $0x20  }
0x30: {  	s15 =	sshrl.u32 s13, $0x3;
	[sflag:s5] =	ssyncset.done $0x0  }
0x31: {  	s31 =	sand.u32 $0x7, s13;
	s15 =	sadd.s32 s3, s15;
	[sflag:s5] =	ssyncadd.s32 $0xFFFFFFE0  }
0x32: {  	[hbm4b:s15+s31] =	stream.linear.scatter [tilespmem:s14], [sflag:$0x3], $0x20, $0x38;
	[tilespmem:$0x80] =	vst v63  }
.LBB2_6:
0x33: {  	_ =	sfence.sel $0x180000  }
0x34: {  	s2 =	simm.s32 $0x2;
	[bflag:$0x0] =	sbarrier.arrive $0xFFFF  }
0x35: {  	s30 =	simm.s32 $0x3;
	[sflag:s2] =	ssyncpa.u1 $0x1  }
0x36: {  	s31 =	simm.s32 $0x1;
	[sflag:s30] =	ssyncpa.u1 $0x1  }
0x37: {  	[sflag:s31] =	ssyncpa.u1 $0x1  }
0x38: {  	p0 =	sne.s32 s0, $0x0;
	_ =	strace $0x90000047  }
0x39: {  	s0 =	sadd.s32 @!p0 $0x100000, s1;
	[bflag:$0x2] =	sbarrier.arrive $0xFFFF  }
0x3a: {  	[sflag:s0] =	ssyncadd.tile.s32 @!p0 $0x1;
	_ =	shalt  }
.Lfunc_end2:
_tile_overlayer_lowered:
.L_overlay_start_2:
0x3b: {  	(tag) =	ssettag $0x2  }
0x3c: {  	s0 =	rddreg [dreg:$0x0];
	s2 =	stileid.u32  }
0x3d: {  	s1 =	rddreg [dreg:$0x1];
	p0 =	sne.s32 s2, $0x0  }
0x3e: {  	s3 =	rddreg [dreg:$0x2];
	[bflag:$0x3] =	sbarrier.arrive $0xFFFF;
	s2 =	simm.s32 @!p0 $0x1C01  }
0x3f: {  	[timem:s3], [sflag:s2] =	dma.local @!p0 [hbm:s0], s1  }
0x40: {  	s0 =	simm.s32 @!p0 $0x1  }
0x41: {  	_ =	swait.ge @!p0 [sflag:s0], s1  }
0x42: {  	s1 =	ssub.s32 @!p0 $0x0, s1;
	[sflag:s0] =	ssyncset.done @!p0 $0x0  }
0x43: {  	[sflag:s0] =	ssyncadd.s32 @!p0 s1  }
0x44: {  	[bflag:$0x3] =	sbarrier.arrive $0xFFFF  }
0x45: {  	_ =	shalt  }

// kernel: kernel.5.cloned.1.call-start
scs
__scs_entry_jumppad:
0x0: {  	(pc) =	sbr.rel $0x88, $3  }
0x1: {  	(tag) =	ssettag $0x0;
	lr =	simm.s32 $0x1  }
0x2: {  	[smem:$0x3F93] =	sst lr;
	_ =	strace $0xD0000000  }
0x3: {  	_ = 	snop  }
0x4: {  	_ = 	snop  }
0x5: {  	_ = 	snop  }
0x6: {  	_ = 	snop  }
0x7: {  	_ = 	snop  }
__scs_overlays_trampoline_lowered:
0x8: {  	[smem:$0x3FA2] =	sst s0  }
0x9: {  	[smem:$0x3FA3] =	sst s1  }
0xa: {  	[smem:$0x3FA4] =	sst s2  }
0xb: {  	[smem:$0x3FA5] =	sst s3  }
0xc: {  	[smem:$0x3FA6] =	sst s4  }
0xd: {  	[smem:$0x3FA7] =	sst s5  }
0xe: {  	[smem:$0x3FA8] =	sst s6  }
0xf: {  	[smem:$0x3FA9] =	sst s7  }
0x10: {  	[smem:$0x3FAA] =	sst s8  }
0x11: {  	[smem:$0x3FAB] =	sst s9;
	s0 =	simm.s32 @!p0 $0x0  }
0x12: {  	s1 =	sld [smem:$0x3F91];
	s0 =	simm.s32 @p0 $0x1  }
0x13: {  	[smem:$0x3FAC] =	sst s0;
	s0 =	simm.s32 @!p1 $0x0  }
0x14: {  	s2 =	sld [smem:$0x3F90];
	s0 =	simm.s32 @p1 $0x1  }
0x15: {  	[smem:$0x3FAD] =	sst s0;
	s0 =	simm.s32 @!p2 $0x0  }
0x16: {  	s3 =	sld [smem:$0x3FDB];
	s0 =	simm.s32 @p2 $0x1  }
0x17: {  	s4 =	simm.s32 $0x1BF5;
	[smem:$0x3FAF] =	sst s0  }
0x18: {  	s0 =	sld [smem:$0x3F92];
	_ =	swait.ge [sflag:s4], $0x0  }
0x19: {  	s7 =	sld [smem:$0x3F93]  }
0x1a: {  	s8 =	sadd.s32 $0xFFFFE003, lr  }
0x1b: {  	s9 =	sadd.s32 $0xFFFFFEF7, lr;
	s5 =	simm.s32 $0xFFFFFFFF;
	p2 =	slt.u32 s8, $0xFFFFF086  }
0x1c: {  	p1 =	slt.u32 s9, $0xF7A;
	s5 =	simm.s32 @!p2 $0x0  }
0x1d: {  	s5 =	simm.s32 @p1 $0x1;
	p0 =	seq.s32 s7, s2  }
0x1e: {  	s7 =	smul.u32 @!p0 $0xF7A, s2;
	p2 =	seq.s32 @!p0 s5, $0x0  }
0x1f: {  	s9 =	smul.u32 $0xF7A, s1;
	s8 =	simm.s32 @!p0 $0x1BF5;
	p2 =	por !p2, p0  }
0x20: {  	[sflag:s8] =	ssyncset.s32 @!p0 $0xFFFFF086;
	s6 =	sadd.s32 @!p0 s3, s7;
	s7 =	simm.s32 @!p0 $0x108  }
0x21: {  	s3 =	sadd.s32 s3, s9;
	s6 =	sadd.s32 @!p0 $0x88, s6;
	s7 =	simm.s32 @p2 $0x1082  }
0x22: {  	[simem:s7], [sflag:s8] =	dma.local @!p0 [hbm:s6], $0xF7A  }
0x23: {  	s9 =	sor.u32 $0xD0000000, s2;
	s6 =	simm.s32 $0x108;
	_ =	swait.ge @!p0 [sflag:s8], $0x0  }
0x24: {  	s3 =	sadd.s32 $0x88, s3;
	s6 =	simm.s32 @!p1 $0x1082;
	[sflag:s4] =	ssyncset.s32 $0xFFFFF086  }
0x25: {  	[simem:s6], [sflag:s4] =	dma.local [hbm:s3], $0xF7A  }
0x26: {  	[smem:$0x3F93] =	sst s1;
	(tag) =	ssettag s2;
	_ =	strace s9  }
0x27: {  	s1 =	sld [smem:$0x3FA3]  }
0x28: {  	s2 =	sld [smem:$0x3FA4]  }
0x29: {  	s4 =	sld [smem:$0x3FA6]  }
0x2a: {  	p0 =	seq.s32 s5, $0x0;
	s5 =	sld [smem:$0x3FA7]  }
0x2b: {  	s6 =	sld [smem:$0x3FA8]  }
0x2c: {  	s7 =	sld [smem:$0x3FA9]  }
0x2d: {  	s3 =	simm.s32 $0x108;
	s8 =	sld [smem:$0x3FAA]  }
0x2e: {  	s3 =	simm.s32 @!p0 $0x1082;
	s9 =	sld [smem:$0x3FAB]  }
0x2f: {  	lr =	sadd.s32 s0, s3;
	s0 =	sld [smem:$0x3FA2]  }
0x30: {  	s3 =	sld [smem:$0x3FA5]  }
0x31: {  	[smem:$0x3FAE] =	sst s10  }
0x32: {  	s10 =	sld [smem:$0x3FAC];
	_ =	sdelay $0x3  }
0x33: {  	p0 =	seq.s32 s10, $0x1;
	s10 =	sld [smem:$0x3FAE];
	_ =	sdelay $0x3  }
0x34: {  	[smem:$0x3FAE] =	sst s10  }
0x35: {  	s10 =	sld [smem:$0x3FAD];
	_ =	sdelay $0x3  }
0x36: {  	p1 =	seq.s32 s10, $0x1;
	s10 =	sld [smem:$0x3FAE];
	_ =	sdelay $0x3  }
0x37: {  	[smem:$0x3FAE] =	sst s10  }
0x38: {  	s10 =	sld [smem:$0x3FAF]  }
0x39: {  	_ = 	snop;
	(pc) =	sbr.ind lr, $3  }
0x3a: {  	_ = 	snop  }
0x3b: {  	_ = 	snop  }
0x3c: {  	p2 =	seq.s32 s10, $0x1;
	s10 =	sld [smem:$0x3FAE]  }
0x3d: {  	_ =	shalt  }
0x3e: {  	_ =	shalt  }
0x3f: {  	_ =	shalt  }
0x40: {  	_ =	shalt  }
0x41: {  	_ =	shalt  }
0x42: {  	_ =	shalt  }
0x43: {  	_ =	shalt  }
0x44: {  	_ =	shalt  }
0x45: {  	_ =	shalt  }
0x46: {  	_ =	shalt  }
0x47: {  	_ =	shalt  }
0x48: {  	_ =	shalt  }
0x49: {  	_ =	shalt  }
0x4a: {  	_ =	shalt  }
0x4b: {  	_ =	shalt  }
0x4c: {  	_ =	shalt  }
0x4d: {  	_ =	shalt  }
0x4e: {  	_ =	shalt  }
0x4f: {  	_ =	shalt  }
0x50: {  	_ =	shalt  }
0x51: {  	_ =	shalt  }
0x52: {  	_ =	shalt  }
0x53: {  	_ =	shalt  }
0x54: {  	_ =	shalt  }
0x55: {  	_ =	shalt  }
0x56: {  	_ =	shalt  }
0x57: {  	_ =	shalt  }
0x58: {  	_ =	shalt  }
0x59: {  	_ =	shalt  }
0x5a: {  	_ =	shalt  }
0x5b: {  	_ =	shalt  }
0x5c: {  	_ =	shalt  }
0x5d: {  	_ =	shalt  }
0x5e: {  	_ =	shalt  }
0x5f: {  	_ =	shalt  }
0x60: {  	_ =	shalt  }
0x61: {  	_ =	shalt  }
0x62: {  	_ =	shalt  }
0x63: {  	_ =	shalt  }
0x64: {  	_ =	shalt  }
0x65: {  	_ =	shalt  }
0x66: {  	_ =	shalt  }
0x67: {  	_ =	shalt  }
0x68: {  	_ =	shalt  }
0x69: {  	_ =	shalt  }
0x6a: {  	_ =	shalt  }
0x6b: {  	_ =	shalt  }
0x6c: {  	_ =	shalt  }
0x6d: {  	_ =	shalt  }
0x6e: {  	_ =	shalt  }
0x6f: {  	_ =	shalt  }
0x70: {  	_ =	shalt  }
0x71: {  	_ =	shalt  }
0x72: {  	_ =	shalt  }
0x73: {  	_ =	shalt  }
0x74: {  	_ =	shalt  }
0x75: {  	_ =	shalt  }
0x76: {  	_ =	shalt  }
0x77: {  	_ =	shalt  }
0x78: {  	_ =	shalt  }
0x79: {  	_ =	shalt  }
0x7a: {  	_ =	shalt  }
0x7b: {  	_ =	shalt  }
0x7c: {  	_ =	shalt  }
0x7d: {  	_ =	shalt  }
0x7e: {  	_ =	shalt  }
0x7f: {  	_ =	shalt  }
0x80: {  	_ =	shalt  }
0x81: {  	_ =	shalt  }
0x82: {  	_ =	shalt  }
0x83: {  	_ =	shalt  }
0x84: {  	_ =	shalt  }
0x85: {  	_ =	shalt  }
0x86: {  	_ =	shalt  }
0x87: {  	_ =	shalt  }
.Lfunc_end0:
.L_simem_size_0:
called_computation.4_lowered:
.L_overlay_start_0:
0x88: {  	s2 =	sld [smem:$0x3FD9]  }
0x89: {  	s3 =	sld [smem:$0x3FFE];
	_ =	sdelay $0x1  }
0x8a: {  	s1 =	srdreg.scid  }
0x8b: {  	s0 =	sand.u32 $0x1, s1  }
0x8c: {  	s15 =	sshll.u32 s0, $0xA;
	s2 =	sadd.s32 s3, s2  }
0x8d: {  	s2 =	sadd.s32 s2, s15  }
0x8e: {  	[smem:$0x3FBA] =	sst s2  }
0x8f: {  	_ = 	snop  }
0x90: {  	s4 =	sld [smem:$0x3FD0];
	_ =	sdelay $0x2  }
0x91: {  	s5 =	simm.s32 $0xE;
	s6 =	simm.s32 $0x10  }
0x92: {  	[smem:s6], [sflag:s5] =	dma.local [hbm:s4], $0x1  }
0x93: {  	_ =	swait.eq [sflag:s5], $0x1  }
0x94: {  	[sflag:s5] =	ssyncset.done $0x0  }
0x95: {  	s16 =	sld [smem:$0x14];
	[sflag:s5] =	ssyncadd.s32 $0xFFFFFFFF  }
0x96: {  	s4 =	sadd.s32 $0x1, s4;
	s17 =	sld [smem:$0x15]  }
0x97: {  	[smem:s6], [sflag:s5] =	dma.local [hbm:s4], $0x1  }
0x98: {  	_ =	swait.eq [sflag:s5], $0x1  }
0x99: {  	[sflag:s5] =	ssyncset.done $0x0  }
0x9a: {  	[sflag:s5] =	ssyncadd.s32 $0xFFFFFFFF  }
0x9b: {  	s18 =	sld [smem:$0x12];
	(tm) =	ssettm $0x1  }
0x9c: {  	s19 =	sld [smem:$0x3FFB];
	_ =	sdelay $0x3  }
0x9d: {  	_ =	strace s19  }
0x9e: {  	s4 =	sld [smem:$0x3FFC];
	_ =	sdelay $0x3  }
0x9f: {  	_ =	strace s4  }
0xa0: {  	s4 =	sld [smem:$0x3FFD];
	_ =	sdelay $0x3  }
0xa1: {  	_ =	strace s4  }
0xa2: {  	_ =	strace $0x8FFFFFFF  }
0xa3: {  	s20 =	sld [smem:$0x3FDB];
	_ =	sdelay $0x1  }
0xa4: {  	s21 =	simm.s32 $_scs_section_size  }
0xa5: {  	s7 =	simm.s32 $_size__tile_overlayer_lowered;
	s8 =	simm.s32 $_tile_overlayer_lowered  }
0xa6: {  	s9 =	simm.s32 $0x1BFF;
	s22 =	sshll.u32 s8, $0x1;
	s6 =	sadd.s32 s21, s20  }
0xa7: {  	s23 =	simm.s32 $0x0;
	s7 =	sshll.u32 s7, $0x1;
	s8 =	sadd.s32 s22, s6  }
0xa8: {  	[timem:s23], [sflag:s9] =	dma.local [hbm:s8], s7  }
0xa9: {  	_ =	swait.ge [sflag:s9], s7  }
0xaa: {  	s7 =	ssub.s32 $0x0, s7;
	[sflag:s9] =	ssyncset.done $0x0  }
0xab: {  	[sflag:s9] =	ssyncadd.s32 s7;
	_ =	sdelay $0x1  }
0xac: {  	s24 =	simm.s32 $0x1B8B  }
0xad: {  	_ =	swait.ge [sflag:s24], $0x1  }
0xae: {  	[sflag:s24] =	ssyncset.done $0x0  }
0xaf: {  	[sflag:s24] =	ssyncadd.s32 $0xFFFFFFFF  }
0xb0: {  	s7 =	sld [smem:$0x0]  }
0xb1: {  	s8 =	sand.u32 $0xFFFFFFFE, s1  }
0xb2: {  	p0 =	sne.s32 s1, s8  }
0xb3: {  	s8 =	sshll.u32 @p0 s8, $0xE  }
0xb4: {  	s8 =	sadd.s32 @p0 $0x11B8D, s8;
	s9 =	sshll.u32 @p0 s7, $0x11  }
0xb5: {  	s8 =	sor.u32 @p0 s9, s8  }
0xb6: {  	[sflag:s8] =	ssyncadd.remote.s32 @p0 $0x1;
	_ =	sdelay $0x1  }
0xb7: {  	s8 =	simm.s32 @p0 $0x1B8D  }
0xb8: {  	_ =	swait.eq @p0 [sflag:s8], $0x1  }
0xb9: {  	[sflag:s8] =	ssyncadd.s32 @p0 $0xFFFFFFFF  }
0xba: {  	s9 =	sshll.u32 @!p0 s1, $0xE  }
0xbb: {  	s9 =	sor.u32 @!p0 $0x4000, s9;
	s8 =	simm.s32 @!p0 $0x1B8D  }
0xbc: {  	s7 =	sshll.u32 @!p0 s7, $0x11;
	s9 =	sadd.s32 @!p0 $0x11B8D, s9;
	_ =	swait.eq @!p0 [sflag:s8], $0x1  }
0xbd: {  	s7 =	sor.u32 @!p0 s7, s9;
	[sflag:s8] =	ssyncadd.s32 @!p0 $0xFFFFFFFF  }
0xbe: {  	s25 =	simm.s32 $0x1B8E;
	[sflag:s7] =	ssyncadd.remote.s32 @!p0 $0x1  }
0xbf: {  	s26 =	simm.s32 $execute0_lowered;
	[smem:$0x3FD2] =	sst s25  }
0xc0: {  	s7 =	sshll.u32 s26, $0x1;
	_ =	strace $0x80000052;
	[dreg:$0x1] =	wrdreg $0xFFFFFFFF  }
0xc1: {  	s28 =	simm.s32 $_size_execute0_lowered;
	s6 =	sadd.s32 s6, s7;
	[dreg:$0x0] =	wrdreg $0x0  }
0xc2: {  	s7 =	sshll.u32 s28, $0x1;
	[dreg:$0x2] =	wrdreg s6  }
0xc3: {  	[dreg:$0x3] =	wrdreg s7  }
0xc4: {  	[dreg:$0x4] =	wrdreg $0xC0  }
0xc5: {  	_ =	task [dreg:s23], $0x5FFFF  }
0xc6: {  	[dreg:$0x1] =	wrdreg $0xFFFFFFFF  }
0xc7: {  	[dreg:$0x0] =	wrdreg $0x60  }
0xc8: {  	[dreg:$0x2] =	wrdreg s16  }
0xc9: {  	[dreg:$0x3] =	wrdreg s18  }
0xca: {  	[dreg:$0x4] =	wrdreg s17  }
0xcb: {  	[dreg:$0x5] =	wrdreg $0xD  }
0xcc: {  	_ =	task.clear_ibuf [dreg:s23], $0x6FFFF;
	_ =	strace $0x90000052  }
0xcd: {  	s29 =	simm.s32 $0xD;
	_ =	strace $0x80000054  }
0xce: {  	_ =	swait.ge [sflag:s29], $0x1  }
0xcf: {  	[sflag:s29] =	ssyncadd.s32 $0xFFFFFFFF  }
0xd0: {  	_ =	strace $0x90000054  }
0xd1: {  	_ =	sfence  }
0xd2: {  	s30 =	sld [smem:$0x0];
	_ =	sdelay $0x2  }
0xd3: {  	s31 =	sshll.u32 s1, $0xD;
	s1 =	sshrl.u32 s1, $0x2  }
0xd4: {  	s3 =	sand.u32 $0x4000, s31;
	s1 =	sadd.s32 s1, s30  }
0xd5: {  	s0 =	sor.u32 s3, s0;
	s1 =	sshll.u32 s1, $0x11  }
0xd6: {  	s0 =	sor.u32 s1, s0  }
0xd7: {  	s0 =	sadd.s32 $0x8F2B, s0  }
0xd8: {  	[sflag:s0] =	ssyncadd.remote.s32 $0x1  }
0xd9: {  	_ =	sfence.sel $0xFFFF  }
0xda: {  	[dreg:$0x0] =	wrdreg $0xFFFFFFFF;
	(pc) =	sbr.abs _section_cstart, $3  }
0xdb: {  	[dreg:$0x1] =	wrdreg $0xFFFFFFFF  }
0xdc: {  	_ =	task.clear_ibuf [dreg:s23], $0x2FFFF;
	_ =	strace $0x9FFFFFFF  }
0xdd: {  	(tm) =	ssettm $0x7FFFFFFF  }
tec
execute0_lowered:
.L_overlay_start_1:
0x0: {  	(tag) =	ssettag $0x1  }
0x1: {  	s1 =	rddreg [dreg:$0x0]  }
0x2: {  	s2 =	srdreg.scid;
	s4 =	rddreg [dreg:$0x1]  }
0x3: {  	s0 =	stileid.u32;
	s9 =	rddreg [dreg:$0x2];
	s6 =	sand.u32 $0x1, s2  }
0x4: {  	s3 =	simm.s32 $0x0;
	s5 =	sshll.u32 s0, $0x7;
	s7 =	sshll.u32 s6, $0x6  }
0x5: {  	[smem:$0x7FF] =	sst s3;
	s10 =	sor.u32 s7, s5  }
0x6: {  	s2 =	rddreg [dreg:$0x3];
	_ =	strace $0x80000053;
	s5 =	sshrl.u32 s10, $0x3  }
0x7: {  	s11 =	ssub.s32 $0x2, s6;
	s5 =	sadd.s32 s4, s5;
	s4 =	simm.s32 $0x2  }
0x8: {  	[tilespmem:s3], [sflag:$0x2] =	stream.linear.gather [hbm4b:s5+s3], $0x40, $0x38;
	[tilespmem:$0x2080] =	vst v63  }
0x9: {  	s8 =	simm.s32 $0x1;
	s12 =	sshrl.u32 s11, $0x1;
	_ =	swait.ge [sflag:s4], $0x40  }
0xa: {  	s6 =	simm.s32 $0x40;
	s11 =	ssub.s32 s11, s12;
	[sflag:s4] =	ssyncset.done $0x0  }
0xb: {  	s7 =	simm.s32 $0x80;
	s31 =	smax.u32 s11, $0x1;
	[sflag:s4] =	ssyncadd.s32 $0xFFFFFFC0  }
0xc: {  	[tilespmem:s7], [sflag:$0x1] =	stream.indirect.gather [hbm4b:s1+s6], $0x80, s3, s6, $0xb8;
	[tilespmem:$0x2080] =	vst v63  }
0xd: {  	p0 =	sne.s32 s31, $0x1;
	_ =	swait.ge [sflag:s8], $0x2000  }
.Ltmp0:
0xe: {  	s10 =	sshll.u32 s10, $0x4;
	[sflag:s8] =	ssyncset.done $0x0;
	(pc) =	sbr.rel @!p0 .LBB2_2-.Ltmp0, $4  }
0xf: {  	s9 =	sadd.s32 s9, s10;
	[sflag:s8] =	ssyncadd.s32 $0xFFFFE000  }
0x10: {  	[hbm4b:s9+s3] =	stream.linear.scatter [tilespmem:s7], [sflag:$0x2], $0x2000, $0x38;
	[tilespmem:$0x2080] =	vst v63  }
0x11: {  	_ =	swait.ge [sflag:s4], $0x2000  }
0x12: {  	s10 =	sadd.s32 $0xFFFFFFFF, s31;
	[sflag:s4] =	ssyncset.done $0x0  }
.LBB2_1:
0x13: {  	p0 =	sne.s32 s10, $0x1;
	s10 =	sadd.s32 $0xFFFFFFFF, s10;
	[sflag:s4] =	ssyncadd.s32 $0xFFFFE000  }
0x14: {  	[tilespmem:s3], [sflag:$0x2] =	stream.linear.gather [hbm4b:s5+s3], $0x40, $0x38;
	[tilespmem:$0x2080] =	vst v63  }
0x15: {  	_ =	swait.ge [sflag:s4], $0x40  }
0x16: {  	[sflag:s4] =	ssyncset.done $0x0  }
0x17: {  	[sflag:s4] =	ssyncadd.s32 $0xFFFFFFC0  }
0x18: {  	[tilespmem:s7], [sflag:$0x1] =	stream.indirect.gather [hbm4b:s1+s6], $0x80, s3, s6, $0xb8;
	[tilespmem:$0x2080] =	vst v63  }
0x19: {  	_ =	swait.ge [sflag:s8], $0x2000  }
.Ltmp1:
0x1a: {  	[sflag:s8] =	ssyncset.done $0x0;
	(pc) =	sbr.rel @p0 .LBB2_1-.Ltmp1, $4  }
0x1b: {  	[sflag:s8] =	ssyncadd.s32 $0xFFFFE000  }
0x1c: {  	[hbm4b:s9+s3] =	stream.linear.scatter [tilespmem:s7], [sflag:$0x2], $0x2000, $0x38;
	[tilespmem:$0x2080] =	vst v63  }
0x1d: {  	_ =	swait.ge [sflag:s4], $0x2000  }
0x1e: {  	[sflag:s4] =	ssyncset.done $0x0  }
.LBB2_2:
0x1f: {  	[sflag:s4] =	ssyncadd.s32 $0xFFFFE000  }
0x20: {  	_ =	sfence.sel $0x180000  }
0x21: {  	[bflag:$0x0] =	sbarrier.arrive $0xFFFF  }
0x22: {  	p0 =	sne.s32 s0, $0x0;
	_ =	strace $0x90000053  }
0x23: {  	s0 =	sadd.s32 @!p0 $0x100000, s2;
	[bflag:$0x2] =	sbarrier.arrive $0xFFFF  }
0x24: {  	[sflag:s0] =	ssyncadd.tile.s32 @!p0 $0x1;
	_ =	shalt  }
.Lfunc_end2:
_tile_overlayer_lowered:
.L_overlay_start_2:
0x25: {  	(tag) =	ssettag $0x2  }
0x26: {  	s0 =	rddreg [dreg:$0x0];
	s2 =	stileid.u32  }
0x27: {  	s1 =	rddreg [dreg:$0x1];
	p0 =	sne.s32 s2, $0x0  }
0x28: {  	s3 =	rddreg [dreg:$0x2];
	[bflag:$0x3] =	sbarrier.arrive $0xFFFF;
	s2 =	simm.s32 @!p0 $0x1C02  }
0x29: {  	[timem:s3], [sflag:s2] =	dma.local @!p0 [hbm:s0], s1  }
0x2a: {  	s0 =	simm.s32 @!p0 $0x2  }
0x2b: {  	_ =	swait.ge @!p0 [sflag:s0], s1  }
0x2c: {  	s1 =	ssub.s32 @!p0 $0x0, s1;
	[sflag:s0] =	ssyncset.done @!p0 $0x0  }
0x2d: {  	[sflag:s0] =	ssyncadd.s32 @!p0 s1  }
0x2e: {  	[bflag:$0x3] =	sbarrier.arrive $0xFFFF  }
0x2f: {  	_ =	shalt  }

</sc_bundles>
